<compile_context>
chip_gen: v7x
topology: tpu7x:2x2x1
jax: 0.10.2.dev20260603
libtpu: 0.0.44.dev20260713+nightly
codegen_flags: <defaults>
</compile_context>

<pallas_src>
import functools

import jax
import jax.numpy as jnp
from jax import lax
from jax.experimental import pallas as pl
from jax.experimental.pallas import tpu as pltpu
from jax.experimental.pallas import tpu_sc as plsc

_T, _D, _I, _E, _K = 2048, 1024, 1024, 8, 2
_SCALE = 2.5
_BM = 256
_PR = 6144
_NBR = _PR // _BM
_N = _T * _K
_NW = 32
_BT2 = 256
_NB2 = _T // _BT2


_GPW = _PR // _NW
_GCH = 96
_APW = _N // _NW
_ACH = 64


@functools.lru_cache(maxsize=None)
def _build_sc_gather(n_rows, per_worker, chunk):
    mesh = plsc.VectorSubcoreMesh(core_axis_name="c", subcore_axis_name="s")

    @functools.partial(
        pl.kernel,
        out_type=jax.ShapeDtypeStruct((n_rows, _D), jnp.float32),
        mesh=mesh,
        scratch_types=[
            pltpu.VMEM((chunk,), jnp.int32),
            pltpu.VMEM((chunk, _D), jnp.float32),
            pltpu.SemaphoreType.DMA,
        ],
    )
    def _gather(tab_hbm, idx_hbm, out_hbm, idx_v, rows_v, sem):
        wid = lax.axis_index("s") * 2 + lax.axis_index("c")
        base = wid * per_worker
        for c in range(per_worker // chunk):
            off = base + c * chunk
            pltpu.sync_copy(idx_hbm.at[pl.ds(off, chunk)], idx_v)
            pltpu.async_copy(tab_hbm.at[idx_v], rows_v, sem).wait()
            pltpu.sync_copy(rows_v, out_hbm.at[pl.ds(off, chunk)])

    return _gather


@functools.lru_cache(maxsize=None)
def _build_sc_scatter_x():
    mesh = plsc.VectorSubcoreMesh(core_axis_name="c", subcore_axis_name="s")
    per_worker = _N // _NW
    chunk = 64

    @functools.partial(
        pl.kernel,
        out_type=jax.ShapeDtypeStruct((_PR, _D), jnp.float32),
        mesh=mesh,
        scratch_types=[
            pltpu.VMEM((chunk,), jnp.int32),
            pltpu.VMEM((chunk, _D), jnp.float32),
            pltpu.SemaphoreType.DMA,
        ],
    )
    def _scatter(x_hbm, pos_hbm, xs_hbm, idx_v, rows_v, sem):
        wid = lax.axis_index("s") * 2 + lax.axis_index("c")
        base = wid * per_worker
        for c in range(per_worker // chunk):
            off = base + c * chunk
            tok = lax.rem(off, _T)
            pltpu.sync_copy(pos_hbm.at[pl.ds(off, chunk)], idx_v)
            pltpu.sync_copy(x_hbm.at[pl.ds(tok, chunk)], rows_v)
            pltpu.async_copy(rows_v, xs_hbm.at[idx_v], sem).wait()

    return _scatter


def _sc_gather_ab(h2, pos01):
    return _build_sc_gather(_N, _APW, _ACH)(h2, pos01)



def _routing_body(x_ref, gw_ref, gb_ref, ltri_ref, pos_ref, wgt_ref, be_ref):
    logits = jax.lax.dot_general(
        x_ref[...], gw_ref[...], (((1,), (1,)), ((), ())),
        preferred_element_type=jnp.float32)
    scores = jax.lax.logistic(logits)
    biased = scores + gb_ref[0, :][None, :]
    colid = jax.lax.broadcasted_iota(jnp.int32, (_T, _E), 1)
    neg = jnp.float32(-1e30)
    m1 = jnp.max(biased, axis=1, keepdims=True)
    i1 = jnp.min(jnp.where(biased == m1, colid, _E), axis=1, keepdims=True)
    b2 = jnp.where(colid == i1, neg, biased)
    m2 = jnp.max(b2, axis=1, keepdims=True)
    i2 = jnp.min(jnp.where(b2 == m2, colid, _E), axis=1, keepdims=True)
    s1 = jnp.sum(jnp.where(colid == i1, scores, 0.0), axis=1, keepdims=True)
    s2 = jnp.sum(jnp.where(colid == i2, scores, 0.0), axis=1, keepdims=True)
    ssum = s1 + s2
    w1 = s1 / ssum * _SCALE
    w2 = s2 / ssum * _SCALE
    oh = ((colid == i1) | (colid == i2)).astype(jnp.bfloat16)
    sexc = jax.lax.dot_general(
        ltri_ref[...], oh, (((1,), (0,)), ((), ())),
        preferred_element_type=jnp.float32)
    counts = jnp.sum(oh.astype(jnp.float32), axis=0, keepdims=True)
    pcounts = jnp.floor((counts + (_BM - 1)) / _BM) * _BM
    e8 = jax.lax.broadcasted_iota(jnp.int32, (_E, _E), 0)
    f8 = jax.lax.broadcasted_iota(jnp.int32, (_E, _E), 1)
    ltri8 = (e8 <= f8).astype(jnp.float32)
    pends = jax.lax.dot_general(
        pcounts, ltri8, (((1,), (0,)), ((), ())),
        preferred_element_type=jnp.float32)
    pstarts = pends - pcounts
    occ1 = jnp.sum(jnp.where(colid == i1, sexc, 0.0), axis=1, keepdims=True)
    occ2 = jnp.sum(jnp.where(colid == i2, sexc, 0.0), axis=1, keepdims=True)
    ps1 = jnp.sum(jnp.where(colid == i1, pstarts, 0.0), axis=1, keepdims=True)
    ps2 = jnp.sum(jnp.where(colid == i2, pstarts, 0.0), axis=1, keepdims=True)
    pos1 = (ps1 + occ1).astype(jnp.int32)
    pos2 = (ps2 + occ2).astype(jnp.int32)
    pos_ref[...] = jnp.concatenate(
        [pos1.reshape(1, _T), pos2.reshape(1, _T),
         jnp.zeros((6, _T), jnp.int32)], axis=0)
    wgt_ref[...] = jnp.concatenate(
        [w1.reshape(1, _T), w2.reshape(1, _T),
         jnp.zeros((6, _T), jnp.float32)], axis=0)
    bi = jax.lax.broadcasted_iota(jnp.int32, (8, 128), 1).astype(
        jnp.float32) * _BM
    be = jnp.zeros((8, 128), jnp.int32)
    for e in range(_E):
        be = be + (bi >= pends[0, e]).astype(jnp.int32)
    be_ref[...] = jnp.minimum(be, _E - 1).astype(jnp.int32)


@functools.lru_cache(maxsize=None)
def _build_routing():
    return pl.pallas_call(
        _routing_body,
        in_specs=[
            pl.BlockSpec((_T, _D), lambda: (0, 0)),
            pl.BlockSpec((_E, _D), lambda: (0, 0)),
            pl.BlockSpec((1, _E), lambda: (0, 0)),
            pl.BlockSpec((_T, _T), lambda: (0, 0)),
        ],
        out_specs=[
            pl.BlockSpec((8, _T), lambda: (0, 0)),
            pl.BlockSpec((8, _T), lambda: (0, 0)),
            pl.BlockSpec((8, 128), lambda: (0, 0)),
        ],
        out_shape=[
            jax.ShapeDtypeStruct((8, _T), jnp.int32),
            jax.ShapeDtypeStruct((8, _T), jnp.float32),
            jax.ShapeDtypeStruct((8, 128), jnp.int32),
        ],
    )



def _routed_body(be_ref, xs_ref, w13_ref, w2_ref, o_ref):
    del be_ref
    x = xs_ref[...]
    gu = jax.lax.dot_general(
        x, w13_ref[0], (((1,), (1,)), ((), ())),
        preferred_element_type=jnp.float32)
    g = gu[:, :_I]
    u = gu[:, _I:]
    h = g * jax.lax.logistic(g) * u
    o_ref[...] = jax.lax.dot_general(
        h, w2_ref[0], (((1,), (1,)), ((), ())),
        preferred_element_type=jnp.float32)



def _shared_body(x_ref, w13s_ref, w2s_ref, a_ref, b_ref, wgt_ref, o_ref):
    x = x_ref[...]
    gu = jax.lax.dot_general(
        x, w13s_ref[...], (((1,), (1,)), ((), ())),
        preferred_element_type=jnp.float32)
    g = gu[:, :_I]
    u = gu[:, _I:]
    h = g * jax.lax.logistic(g) * u
    y = jax.lax.dot_general(
        h, w2s_ref[...], (((1,), (1,)), ((), ())),
        preferred_element_type=jnp.float32)
    w0 = wgt_ref[0, 0, :][:, None]
    w1 = wgt_ref[1, 0, :][:, None]
    o_ref[...] = y + w0 * a_ref[...] + w1 * b_ref[...]


def kernel(x, input_ids, gate_w, gate_bias, w13, w2, w13_shared, w2_shared):
    del input_ids
    xf = x.astype(jnp.float32)
    ltri = jnp.tril(jnp.ones((_T, _T), jnp.bfloat16), -1)
    pos8, wgt8, be8 = _build_routing()(
        xf, gate_w, gate_bias.reshape(1, _E), ltri)
    pos01 = pos8[:2].reshape(-1)
    block_expert = be8[0, :_NBR]

    xs = _build_sc_scatter_x()(xf, pos01)


    h2 = pl.pallas_call(
        _routed_body,
        grid_spec=pltpu.PrefetchScalarGridSpec(
            num_scalar_prefetch=1,
            grid=(_NBR,),
            in_specs=[
                pl.BlockSpec((_BM, _D), lambda b, be: (b, 0)),
                pl.BlockSpec((1, 2 * _I, _D), lambda b, be: (be[b], 0, 0)),
                pl.BlockSpec((1, _D, _I), lambda b, be: (be[b], 0, 0)),
            ],
            out_specs=pl.BlockSpec((_BM, _D), lambda b, be: (b, 0)),
        ),
        out_shape=jax.ShapeDtypeStruct((_PR, _D), jnp.float32),
        compiler_params=pltpu.CompilerParams(
            dimension_semantics=("arbitrary",)),
    )(block_expert, xs, w13, w2)

    ab = _sc_gather_ab(h2, pos01)

    wgt = wgt8[:2].reshape(_K, _NB2, _BT2).transpose(1, 0, 2).reshape(
        _NB2 * _K, 1, _BT2)
    y = pl.pallas_call(
        _shared_body,
        grid=(_NB2,),
        in_specs=[
            pl.BlockSpec((_BT2, _D), lambda t: (t, 0)),
            pl.BlockSpec((2 * _I, _D), lambda t: (0, 0)),
            pl.BlockSpec((_D, _I), lambda t: (0, 0)),
            pl.BlockSpec((_BT2, _D), lambda t: (t, 0)),
            pl.BlockSpec((_BT2, _D), lambda t: (_NB2 + t, 0)),
            pl.BlockSpec((2, 1, _BT2), lambda t: (t, 0, 0)),
        ],
        out_specs=pl.BlockSpec((_BT2, _D), lambda t: (t, 0)),
        out_shape=jax.ShapeDtypeStruct((_T, _D), jnp.float32),
        compiler_params=pltpu.CompilerParams(
            dimension_semantics=("arbitrary",)),
    )(xf, w13_shared, w2_shared, ab, ab, wgt)
    return y.astype(x.dtype)

# --- scband reference (transcript-rebuilt; emitter-appended) ---
"""Pipeline reference for scband-mo-e-16252156248245 (READ-ONLY COPY).

The authoritative reference and input builder live on the scoring server;
editing this copy changes nothing except your own understanding.
"""

import jax, jax.numpy as jnp
import numpy as np

T = 2048
DIM = 1024
INTER = 1024
E = 8
TOPK = 2
VOCAB = 102400
ROUTE_SCALE = 2.5


def silu_and_mul(gate_up):
    gate, up = jnp.split(gate_up, 2, axis=-1)
    return jax.nn.silu(gate) * up


def setup_inputs(seed: int = 0) -> dict:
    key = jax.random.key(seed)
    ks = jax.random.split(key, 8)
    x = jax.random.normal(ks[0], (T, DIM), dtype=jnp.float32)
    input_ids = jax.random.randint(ks[1], (T,), 0, VOCAB, dtype=jnp.int32)
    gate_w = 0.02 * jax.random.normal(ks[2], (E, DIM), dtype=jnp.float32)
    gate_bias = 0.01 * jax.random.normal(ks[3], (E,), dtype=jnp.float32)
    w13 = 0.02 * jax.random.normal(ks[4], (E, 2 * INTER, DIM), dtype=jnp.float32)
    w2 = 0.02 * jax.random.normal(ks[5], (E, DIM, INTER), dtype=jnp.float32)
    w13_shared = 0.02 * jax.random.normal(ks[6], (2 * INTER, DIM), dtype=jnp.float32)
    w2_shared = 0.02 * jax.random.normal(ks[7], (DIM, INTER), dtype=jnp.float32)
    return {"x": x, "input_ids": input_ids, "gate_w": gate_w, "gate_bias": gate_bias,
            "w13": w13, "w2": w2, "w13_shared": w13_shared, "w2_shared": w2_shared}


def reference(x, input_ids, gate_w, gate_bias, w13, w2, w13_shared, w2_shared):
    xf = x.astype(jnp.float32)
    # --- Gate (non-hash path, score_func='sigmoid') ---
    scores = xf @ gate_w.T                      # [T, E]
    scores = jax.nn.sigmoid(scores)
    original_scores = scores
    biased = scores + gate_bias                 # bias only influences expert selection
    _, indices = jax.lax.top_k(biased, TOPK)    # [T, K]
    weights = jnp.take_along_axis(original_scores, indices, axis=1)  # [T, K]
    weights = weights / jnp.sum(weights, axis=-1, keepdims=True)     # sigmoid -> normalize
    weights = weights * ROUTE_SCALE
    # --- FusedMoE: dense dispatch via combine matrix (math-equivalent) ---
    combine = jnp.zeros((T, E), dtype=jnp.float32).at[
        jnp.arange(T)[:, None], indices].add(weights)                # [T, E]
    gate_up = jnp.einsum('td,ekd->tek', xf, w13)                     # [T, E, 2*INTER]
    h = silu_and_mul(gate_up)                                        # [T, E, INTER]
    h = h * combine[:, :, None]                                      # apply routing weights
    y = jnp.einsum('tei,edi->td', h, w2)                             # [T, DIM]
    # --- Shared expert ---
    gu_s = xf @ w13_shared.T                                         # [T, 2*INTER]
    y = y + silu_and_mul(gu_s) @ w2_shared.T                         # [T, DIM]
    return y.astype(x.dtype)

if __name__ == "__main__":
    import jax
    _d = setup_inputs()
    print(jax.jit(kernel)(*tuple(_d.values())))

</pallas_src>

<mosaic_0001>
#map = affine_map<(d0, d1) -> (0, 0)>
#map1 = affine_map<(d0, d1) -> (0)>
module attributes {stable_mosaic.version = 14 : i64} {
  func.func @_gather(%arg0: i32, %arg1: i32, %arg2: memref<6144x1024xf32, #tpu.memory_space<hbm>>, %arg3: memref<4096xi32, #tpu.memory_space<hbm>>, %arg4: memref<4096x1024xf32, #tpu.memory_space<hbm>>, %arg5: memref<64xi32, #tpu.memory_space<vmem>>, %arg6: memref<64x1024xf32, #tpu.memory_space<vmem>>, %arg7: memref<!tpu.dma_semaphore, #tpu.memory_space<semaphore_mem>>) attributes {dimension_semantics = [#tpu.dimension_semantics<core_parallel>, #tpu.dimension_semantics<subcore_parallel>], iteration_bounds = array<i64: 2, 16>, scalar_prefetch = 0 : i64, scratch_operands = 3 : i64, tpu.core_type = #tpu.core_type<sc_vector_subcore>, window_params = [{transform_indices = #map}, {transform_indices = #map1}, {transform_indices = #map}]} {
    %mul3A = arith.constant 2 : i32
    %mul3A_0 = arith.muli %arg1, %mul3A : i32
    %add3A = arith.addi %mul3A_0, %arg0 : i32
    %mul3A_1 = arith.constant 128 : i32
    %mul3A_2 = arith.muli %add3A, %mul3A_1 : i32
    %add3A_3 = arith.constant 0 : i32
    %add3A_4 = arith.addi %mul3A_2, %add3A_3 : i32
    "tpu.region"() ({
      %run_scoped3A = tpu.sem_alloc : memref<!tpu.dma_semaphore, #tpu.memory_space<semaphore_mem>>
      %dma_start3A_17 = tpu.memref_slice %arg3[%add3A_4] : memref<4096xi32, #tpu.memory_space<hbm>> -> memref<64xi32, #tpu.memory_space<hbm>>
      %dma_start3A_18 = tpu.memref_slice %arg3[%add3A_4] : memref<4096xi32, #tpu.memory_space<hbm>> -> memref<64xi32, #tpu.memory_space<hbm>>
      tpu.enqueue_dma source(%dma_start3A_18 : memref<64xi32, #tpu.memory_space<hbm>>) target(%arg5 : memref<64xi32, #tpu.memory_space<vmem>>) target_semaphore(%run_scoped3A : memref<!tpu.dma_semaphore, #tpu.memory_space<semaphore_mem>>)
      %dma_wait3A_19 = tpu.memref_slice %arg3[%add3A_4] : memref<4096xi32, #tpu.memory_space<hbm>> -> memref<64xi32, #tpu.memory_space<hbm>>
      %dma_wait3A_20 = tpu.memref_slice %arg3[%add3A_4] : memref<4096xi32, #tpu.memory_space<hbm>> -> memref<64xi32, #tpu.memory_space<hbm>>
      tpu.wait_dma2 semaphore(%run_scoped3A : memref<!tpu.dma_semaphore, #tpu.memory_space<semaphore_mem>>) src(%dma_wait3A_20 : memref<64xi32, #tpu.memory_space<hbm>>) dst(%arg5 : memref<64xi32, #tpu.memory_space<vmem>>)
      tpu.yield
    }) : () -> ()
    %dma_start3A = arith.constant 0 : i32
    %dma_start3A_5 = arith.constant 0 : i32
    %dma_start3A_6 = tpu.memref_slice %arg2[%dma_start3A, %dma_start3A_5] : memref<6144x1024xf32, #tpu.memory_space<hbm>> -> memref<6144x1024xf32, #tpu.memory_space<hbm>>
    tpu.enqueue_indirect_dma source(%dma_start3A_6 : memref<6144x1024xf32, #tpu.memory_space<hbm>>) target(%arg6 : memref<64x1024xf32, #tpu.memory_space<vmem>>) offsets(%arg5 : memref<64xi32, #tpu.memory_space<vmem>>) semaphore(%arg7 : memref<!tpu.dma_semaphore, #tpu.memory_space<semaphore_mem>>)
    %dma_wait3A = arith.constant 0 : i32
    %dma_wait3A_7 = arith.constant 0 : i32
    %dma_wait3A_8 = tpu.memref_slice %arg2[%dma_wait3A, %dma_wait3A_7] : memref<6144x1024xf32, #tpu.memory_space<hbm>> -> memref<6144x1024xf32, #tpu.memory_space<hbm>>
    tpu.wait_indirect_dma semaphore(%arg7 : memref<!tpu.dma_semaphore, #tpu.memory_space<semaphore_mem>>) src(%dma_wait3A_8 : memref<6144x1024xf32, #tpu.memory_space<hbm>>) dst(%arg6 : memref<64x1024xf32, #tpu.memory_space<vmem>>)
    "tpu.region"() ({
      %run_scoped3A = tpu.sem_alloc : memref<!tpu.dma_semaphore, #tpu.memory_space<semaphore_mem>>
      %dma_start3A_17 = arith.constant 0 : i32
      %dma_start3A_18 = tpu.memref_slice %arg4[%add3A_4, %dma_start3A_17] : memref<4096x1024xf32, #tpu.memory_space<hbm>> -> memref<64x1024xf32, #tpu.memory_space<hbm>>
      %dma_start3A_19 = arith.constant 0 : i32
      %dma_start3A_20 = tpu.memref_slice %arg4[%add3A_4, %dma_start3A_19] : memref<4096x1024xf32, #tpu.memory_space<hbm>> -> memref<64x1024xf32, #tpu.memory_space<hbm>>
      tpu.enqueue_dma source(%arg6 : memref<64x1024xf32, #tpu.memory_space<vmem>>) target(%dma_start3A_20 : memref<64x1024xf32, #tpu.memory_space<hbm>>) target_semaphore(%run_scoped3A : memref<!tpu.dma_semaphore, #tpu.memory_space<semaphore_mem>>)
      %dma_wait3A_21 = arith.constant 0 : i32
      %dma_wait3A_22 = tpu.memref_slice %arg4[%add3A_4, %dma_wait3A_21] : memref<4096x1024xf32, #tpu.memory_space<hbm>> -> memref<64x1024xf32, #tpu.memory_space<hbm>>
      %dma_wait3A_23 = arith.constant 0 : i32
      %dma_wait3A_24 = tpu.memref_slice %arg4[%add3A_4, %dma_wait3A_23] : memref<4096x1024xf32, #tpu.memory_space<hbm>> -> memref<64x1024xf32, #tpu.memory_space<hbm>>
      tpu.wait_dma2 semaphore(%run_scoped3A : memref<!tpu.dma_semaphore, #tpu.memory_space<semaphore_mem>>) src(%arg6 : memref<64x1024xf32, #tpu.memory_space<vmem>>) dst(%dma_wait3A_24 : memref<64x1024xf32, #tpu.memory_space<hbm>>)
      tpu.yield
    }) : () -> ()
    %add3A_9 = arith.constant 64 : i32
    %add3A_10 = arith.addi %mul3A_2, %add3A_9 : i32
    "tpu.region"() ({
      %run_scoped3A = tpu.sem_alloc : memref<!tpu.dma_semaphore, #tpu.memory_space<semaphore_mem>>
      %dma_start3A_17 = tpu.memref_slice %arg3[%add3A_10] : memref<4096xi32, #tpu.memory_space<hbm>> -> memref<64xi32, #tpu.memory_space<hbm>>
      %dma_start3A_18 = tpu.memref_slice %arg3[%add3A_10] : memref<4096xi32, #tpu.memory_space<hbm>> -> memref<64xi32, #tpu.memory_space<hbm>>
      tpu.enqueue_dma source(%dma_start3A_18 : memref<64xi32, #tpu.memory_space<hbm>>) target(%arg5 : memref<64xi32, #tpu.memory_space<vmem>>) target_semaphore(%run_scoped3A : memref<!tpu.dma_semaphore, #tpu.memory_space<semaphore_mem>>)
      %dma_wait3A_19 = tpu.memref_slice %arg3[%add3A_10] : memref<4096xi32, #tpu.memory_space<hbm>> -> memref<64xi32, #tpu.memory_space<hbm>>
      %dma_wait3A_20 = tpu.memref_slice %arg3[%add3A_10] : memref<4096xi32, #tpu.memory_space<hbm>> -> memref<64xi32, #tpu.memory_space<hbm>>
      tpu.wait_dma2 semaphore(%run_scoped3A : memref<!tpu.dma_semaphore, #tpu.memory_space<semaphore_mem>>) src(%dma_wait3A_20 : memref<64xi32, #tpu.memory_space<hbm>>) dst(%arg5 : memref<64xi32, #tpu.memory_space<vmem>>)
      tpu.yield
    }) : () -> ()
    %dma_start3A_11 = arith.constant 0 : i32
    %dma_start3A_12 = arith.constant 0 : i32
    %dma_start3A_13 = tpu.memref_slice %arg2[%dma_start3A_11, %dma_start3A_12] : memref<6144x1024xf32, #tpu.memory_space<hbm>> -> memref<6144x1024xf32, #tpu.memory_space<hbm>>
    tpu.enqueue_indirect_dma source(%dma_start3A_13 : memref<6144x1024xf32, #tpu.memory_space<hbm>>) target(%arg6 : memref<64x1024xf32, #tpu.memory_space<vmem>>) offsets(%arg5 : memref<64xi32, #tpu.memory_space<vmem>>) semaphore(%arg7 : memref<!tpu.dma_semaphore, #tpu.memory_space<semaphore_mem>>)
    %dma_wait3A_14 = arith.constant 0 : i32
    %dma_wait3A_15 = arith.constant 0 : i32
    %dma_wait3A_16 = tpu.memref_slice %arg2[%dma_wait3A_14, %dma_wait3A_15] : memref<6144x1024xf32, #tpu.memory_space<hbm>> -> memref<6144x1024xf32, #tpu.memory_space<hbm>>
    tpu.wait_indirect_dma semaphore(%arg7 : memref<!tpu.dma_semaphore, #tpu.memory_space<semaphore_mem>>) src(%dma_wait3A_16 : memref<6144x1024xf32, #tpu.memory_space<hbm>>) dst(%arg6 : memref<64x1024xf32, #tpu.memory_space<vmem>>)
    "tpu.region"() ({
      %run_scoped3A = tpu.sem_alloc : memref<!tpu.dma_semaphore, #tpu.memory_space<semaphore_mem>>
      %dma_start3A_17 = arith.constant 0 : i32
      %dma_start3A_18 = tpu.memref_slice %arg4[%add3A_10, %dma_start3A_17] : memref<4096x1024xf32, #tpu.memory_space<hbm>> -> memref<64x1024xf32, #tpu.memory_space<hbm>>
      %dma_start3A_19 = arith.constant 0 : i32
      %dma_start3A_20 = tpu.memref_slice %arg4[%add3A_10, %dma_start3A_19] : memref<4096x1024xf32, #tpu.memory_space<hbm>> -> memref<64x1024xf32, #tpu.memory_space<hbm>>
      tpu.enqueue_dma source(%arg6 : memref<64x1024xf32, #tpu.memory_space<vmem>>) target(%dma_start3A_20 : memref<64x1024xf32, #tpu.memory_space<hbm>>) target_semaphore(%run_scoped3A : memref<!tpu.dma_semaphore, #tpu.memory_space<semaphore_mem>>)
      %dma_wait3A_21 = arith.constant 0 : i32
      %dma_wait3A_22 = tpu.memref_slice %arg4[%add3A_10, %dma_wait3A_21] : memref<4096x1024xf32, #tpu.memory_space<hbm>> -> memref<64x1024xf32, #tpu.memory_space<hbm>>
      %dma_wait3A_23 = arith.constant 0 : i32
      %dma_wait3A_24 = tpu.memref_slice %arg4[%add3A_10, %dma_wait3A_23] : memref<4096x1024xf32, #tpu.memory_space<hbm>> -> memref<64x1024xf32, #tpu.memory_space<hbm>>
      tpu.wait_dma2 semaphore(%run_scoped3A : memref<!tpu.dma_semaphore, #tpu.memory_space<semaphore_mem>>) src(%arg6 : memref<64x1024xf32, #tpu.memory_space<vmem>>) dst(%dma_wait3A_24 : memref<64x1024xf32, #tpu.memory_space<hbm>>)
      tpu.yield
    }) : () -> ()
    return
  }
}

#map = affine_map<(d0, d1) -> (0, 0)>
#map1 = affine_map<(d0, d1) -> (0)>
module attributes {stable_mosaic.version = 14 : i64} {
  func.func @_scatter(%arg0: i32, %arg1: i32, %arg2: memref<2048x1024xf32, #tpu.memory_space<hbm>>, %arg3: memref<4096xi32, #tpu.memory_space<hbm>>, %arg4: memref<6144x1024xf32, #tpu.memory_space<hbm>>, %arg5: memref<64xi32, #tpu.memory_space<vmem>>, %arg6: memref<64x1024xf32, #tpu.memory_space<vmem>>, %arg7: memref<!tpu.dma_semaphore, #tpu.memory_space<semaphore_mem>>) attributes {dimension_semantics = [#tpu.dimension_semantics<core_parallel>, #tpu.dimension_semantics<subcore_parallel>], iteration_bounds = array<i64: 2, 16>, scalar_prefetch = 0 : i64, scratch_operands = 3 : i64, tpu.core_type = #tpu.core_type<sc_vector_subcore>, window_params = [{transform_indices = #map}, {transform_indices = #map1}, {transform_indices = #map}]} {
    %mul3A = arith.constant 2 : i32
    %mul3A_0 = arith.muli %arg1, %mul3A : i32
    %add3A = arith.addi %mul3A_0, %arg0 : i32
    %mul3A_1 = arith.constant 128 : i32
    %mul3A_2 = arith.muli %add3A, %mul3A_1 : i32
    %add3A_3 = arith.constant 0 : i32
    %add3A_4 = arith.addi %mul3A_2, %add3A_3 : i32
    %rem3A = arith.constant 2048 : i32
    %rem3A_5 = arith.remsi %add3A_4, %rem3A : i32
    "tpu.region"() ({
      %run_scoped3A = tpu.sem_alloc : memref<!tpu.dma_semaphore, #tpu.memory_space<semaphore_mem>>
      %dma_start3A_20 = tpu.memref_slice %arg3[%add3A_4] : memref<4096xi32, #tpu.memory_space<hbm>> -> memref<64xi32, #tpu.memory_space<hbm>>
      %dma_start3A_21 = tpu.memref_slice %arg3[%add3A_4] : memref<4096xi32, #tpu.memory_space<hbm>> -> memref<64xi32, #tpu.memory_space<hbm>>
      tpu.enqueue_dma source(%dma_start3A_21 : memref<64xi32, #tpu.memory_space<hbm>>) target(%arg5 : memref<64xi32, #tpu.memory_space<vmem>>) target_semaphore(%run_scoped3A : memref<!tpu.dma_semaphore, #tpu.memory_space<semaphore_mem>>)
      %dma_wait3A_22 = tpu.memref_slice %arg3[%add3A_4] : memref<4096xi32, #tpu.memory_space<hbm>> -> memref<64xi32, #tpu.memory_space<hbm>>
      %dma_wait3A_23 = tpu.memref_slice %arg3[%add3A_4] : memref<4096xi32, #tpu.memory_space<hbm>> -> memref<64xi32, #tpu.memory_space<hbm>>
      tpu.wait_dma2 semaphore(%run_scoped3A : memref<!tpu.dma_semaphore, #tpu.memory_space<semaphore_mem>>) src(%dma_wait3A_23 : memref<64xi32, #tpu.memory_space<hbm>>) dst(%arg5 : memref<64xi32, #tpu.memory_space<vmem>>)
      tpu.yield
    }) : () -> ()
    "tpu.region"() ({
      %run_scoped3A = tpu.sem_alloc : memref<!tpu.dma_semaphore, #tpu.memory_space<semaphore_mem>>
      %dma_start3A_20 = arith.constant 0 : i32
      %dma_start3A_21 = tpu.memref_slice %arg2[%rem3A_5, %dma_start3A_20] : memref<2048x1024xf32, #tpu.memory_space<hbm>> -> memref<64x1024xf32, #tpu.memory_space<hbm>>
      %dma_start3A_22 = arith.constant 0 : i32
      %dma_start3A_23 = tpu.memref_slice %arg2[%rem3A_5, %dma_start3A_22] : memref<2048x1024xf32, #tpu.memory_space<hbm>> -> memref<64x1024xf32, #tpu.memory_space<hbm>>
      tpu.enqueue_dma source(%dma_start3A_23 : memref<64x1024xf32, #tpu.memory_space<hbm>>) target(%arg6 : memref<64x1024xf32, #tpu.memory_space<vmem>>) target_semaphore(%run_scoped3A : memref<!tpu.dma_semaphore, #tpu.memory_space<semaphore_mem>>)
      %dma_wait3A_24 = arith.constant 0 : i32
      %dma_wait3A_25 = tpu.memref_slice %arg2[%rem3A_5, %dma_wait3A_24] : memref<2048x1024xf32, #tpu.memory_space<hbm>> -> memref<64x1024xf32, #tpu.memory_space<hbm>>
      %dma_wait3A_26 = arith.constant 0 : i32
      %dma_wait3A_27 = tpu.memref_slice %arg2[%rem3A_5, %dma_wait3A_26] : memref<2048x1024xf32, #tpu.memory_space<hbm>> -> memref<64x1024xf32, #tpu.memory_space<hbm>>
      tpu.wait_dma2 semaphore(%run_scoped3A : memref<!tpu.dma_semaphore, #tpu.memory_space<semaphore_mem>>) src(%dma_wait3A_27 : memref<64x1024xf32, #tpu.memory_space<hbm>>) dst(%arg6 : memref<64x1024xf32, #tpu.memory_space<vmem>>)
      tpu.yield
    }) : () -> ()
    %dma_start3A = arith.constant 0 : i32
    %dma_start3A_6 = arith.constant 0 : i32
    %dma_start3A_7 = tpu.memref_slice %arg4[%dma_start3A, %dma_start3A_6] : memref<6144x1024xf32, #tpu.memory_space<hbm>> -> memref<6144x1024xf32, #tpu.memory_space<hbm>>
    tpu.enqueue_indirect_dma source(%arg6 : memref<64x1024xf32, #tpu.memory_space<vmem>>) target(%dma_start3A_7 : memref<6144x1024xf32, #tpu.memory_space<hbm>>) offsets(%arg5 : memref<64xi32, #tpu.memory_space<vmem>>) semaphore(%arg7 : memref<!tpu.dma_semaphore, #tpu.memory_space<semaphore_mem>>)
    %dma_wait3A = arith.constant 0 : i32
    %dma_wait3A_8 = arith.constant 0 : i32
    %dma_wait3A_9 = tpu.memref_slice %arg4[%dma_wait3A, %dma_wait3A_8] : memref<6144x1024xf32, #tpu.memory_space<hbm>> -> memref<6144x1024xf32, #tpu.memory_space<hbm>>
    tpu.wait_indirect_dma semaphore(%arg7 : memref<!tpu.dma_semaphore, #tpu.memory_space<semaphore_mem>>) src(%arg6 : memref<64x1024xf32, #tpu.memory_space<vmem>>) dst(%dma_wait3A_9 : memref<6144x1024xf32, #tpu.memory_space<hbm>>)
    %add3A_10 = arith.constant 64 : i32
    %add3A_11 = arith.addi %mul3A_2, %add3A_10 : i32
    %rem3A_12 = arith.constant 2048 : i32
    %rem3A_13 = arith.remsi %add3A_11, %rem3A_12 : i32
    "tpu.region"() ({
      %run_scoped3A = tpu.sem_alloc : memref<!tpu.dma_semaphore, #tpu.memory_space<semaphore_mem>>
      %dma_start3A_20 = tpu.memref_slice %arg3[%add3A_11] : memref<4096xi32, #tpu.memory_space<hbm>> -> memref<64xi32, #tpu.memory_space<hbm>>
      %dma_start3A_21 = tpu.memref_slice %arg3[%add3A_11] : memref<4096xi32, #tpu.memory_space<hbm>> -> memref<64xi32, #tpu.memory_space<hbm>>
      tpu.enqueue_dma source(%dma_start3A_21 : memref<64xi32, #tpu.memory_space<hbm>>) target(%arg5 : memref<64xi32, #tpu.memory_space<vmem>>) target_semaphore(%run_scoped3A : memref<!tpu.dma_semaphore, #tpu.memory_space<semaphore_mem>>)
      %dma_wait3A_22 = tpu.memref_slice %arg3[%add3A_11] : memref<4096xi32, #tpu.memory_space<hbm>> -> memref<64xi32, #tpu.memory_space<hbm>>
      %dma_wait3A_23 = tpu.memref_slice %arg3[%add3A_11] : memref<4096xi32, #tpu.memory_space<hbm>> -> memref<64xi32, #tpu.memory_space<hbm>>
      tpu.wait_dma2 semaphore(%run_scoped3A : memref<!tpu.dma_semaphore, #tpu.memory_space<semaphore_mem>>) src(%dma_wait3A_23 : memref<64xi32, #tpu.memory_space<hbm>>) dst(%arg5 : memref<64xi32, #tpu.memory_space<vmem>>)
      tpu.yield
    }) : () -> ()
    "tpu.region"() ({
      %run_scoped3A = tpu.sem_alloc : memref<!tpu.dma_semaphore, #tpu.memory_space<semaphore_mem>>
      %dma_start3A_20 = arith.constant 0 : i32
      %dma_start3A_21 = tpu.memref_slice %arg2[%rem3A_13, %dma_start3A_20] : memref<2048x1024xf32, #tpu.memory_space<hbm>> -> memref<64x1024xf32, #tpu.memory_space<hbm>>
      %dma_start3A_22 = arith.constant 0 : i32
      %dma_start3A_23 = tpu.memref_slice %arg2[%rem3A_13, %dma_start3A_22] : memref<2048x1024xf32, #tpu.memory_space<hbm>> -> memref<64x1024xf32, #tpu.memory_space<hbm>>
      tpu.enqueue_dma source(%dma_start3A_23 : memref<64x1024xf32, #tpu.memory_space<hbm>>) target(%arg6 : memref<64x1024xf32, #tpu.memory_space<vmem>>) target_semaphore(%run_scoped3A : memref<!tpu.dma_semaphore, #tpu.memory_space<semaphore_mem>>)
      %dma_wait3A_24 = arith.constant 0 : i32
      %dma_wait3A_25 = tpu.memref_slice %arg2[%rem3A_13, %dma_wait3A_24] : memref<2048x1024xf32, #tpu.memory_space<hbm>> -> memref<64x1024xf32, #tpu.memory_space<hbm>>
      %dma_wait3A_26 = arith.constant 0 : i32
      %dma_wait3A_27 = tpu.memref_slice %arg2[%rem3A_13, %dma_wait3A_26] : memref<2048x1024xf32, #tpu.memory_space<hbm>> -> memref<64x1024xf32, #tpu.memory_space<hbm>>
      tpu.wait_dma2 semaphore(%run_scoped3A : memref<!tpu.dma_semaphore, #tpu.memory_space<semaphore_mem>>) src(%dma_wait3A_27 : memref<64x1024xf32, #tpu.memory_space<hbm>>) dst(%arg6 : memref<64x1024xf32, #tpu.memory_space<vmem>>)
      tpu.yield
    }) : () -> ()
    %dma_start3A_14 = arith.constant 0 : i32
    %dma_start3A_15 = arith.constant 0 : i32
    %dma_start3A_16 = tpu.memref_slice %arg4[%dma_start3A_14, %dma_start3A_15] : memref<6144x1024xf32, #tpu.memory_space<hbm>> -> memref<6144x1024xf32, #tpu.memory_space<hbm>>
    tpu.enqueue_indirect_dma source(%arg6 : memref<64x1024xf32, #tpu.memory_space<vmem>>) target(%dma_start3A_16 : memref<6144x1024xf32, #tpu.memory_space<hbm>>) offsets(%arg5 : memref<64xi32, #tpu.memory_space<vmem>>) semaphore(%arg7 : memref<!tpu.dma_semaphore, #tpu.memory_space<semaphore_mem>>)
    %dma_wait3A_17 = arith.constant 0 : i32
    %dma_wait3A_18 = arith.constant 0 : i32
    %dma_wait3A_19 = tpu.memref_slice %arg4[%dma_wait3A_17, %dma_wait3A_18] : memref<6144x1024xf32, #tpu.memory_space<hbm>> -> memref<6144x1024xf32, #tpu.memory_space<hbm>>
    tpu.wait_indirect_dma semaphore(%arg7 : memref<!tpu.dma_semaphore, #tpu.memory_space<semaphore_mem>>) src(%arg6 : memref<64x1024xf32, #tpu.memory_space<vmem>>) dst(%dma_wait3A_19 : memref<6144x1024xf32, #tpu.memory_space<hbm>>)
    return
  }
}

module attributes {stable_mosaic.version = 14 : i64} {
  func.func @_routing_body(%arg0: memref<2048x1024xf32, #tpu.memory_space<vmem>>, %arg1: memref<8x1024xf32, #tpu.memory_space<vmem>>, %arg2: memref<1x8xf32, #tpu.memory_space<vmem>>, %arg3: memref<2048x2048xbf16, #tpu.memory_space<vmem>>, %arg4: memref<8x2048xi32, #tpu.memory_space<vmem>>, %arg5: memref<8x2048xf32, #tpu.memory_space<vmem>>, %arg6: memref<8x128xi32, #tpu.memory_space<vmem>>) attributes {dimension_semantics = [], scalar_prefetch = 0 : i64, scratch_operands = 0 : i64, tpu.core_type = #tpu.core_type<tc>} {
    %get3A = arith.constant 0 : index
    %get3A_0 = arith.constant 0 : index
    %get3A_1 = vector.load %arg0[%get3A, %get3A_0] : memref<2048x1024xf32, #tpu.memory_space<vmem>>, vector<2048x1024xf32>
    %get3A_2 = arith.constant 0 : index
    %get3A_3 = arith.constant 0 : index
    %get3A_4 = vector.load %arg1[%get3A_2, %get3A_3] : memref<8x1024xf32, #tpu.memory_space<vmem>>, vector<8x1024xf32>
    %dot_general3A = arith.constant dense<0.000000e+00> : vector<2048x8xf32>
    %dot_general3A_5 = tpu.matmul %get3A_1, %get3A_4, %dot_general3A {dimension_numbers = #tpu.dot_dimension_numbers<[1], [1], [0], [0], [0, 0, 1, 0], [], []>, transpose_lhs_hint = false} : vector<2048x1024xf32>, vector<8x1024xf32>, vector<2048x8xf32> -> vector<2048x8xf32>
    %logistic3A = arith.negf %dot_general3A_5 : vector<2048x8xf32>
    %logistic3A_6 = math.exp %logistic3A : vector<2048x8xf32>
    %logistic3A_7 = arith.constant 1.000000e+00 : f32
    %logistic3A_8 = vector.broadcast %logistic3A_7 : f32 to vector<2048x8xf32>
    %logistic3A_9 = arith.addf %logistic3A_8, %logistic3A_6 : vector<2048x8xf32>
    %logistic3A_10 = arith.divf %logistic3A_8, %logistic3A_9 : vector<2048x8xf32>
    %get3A_11 = arith.constant 0 : index
    %get3A_12 = arith.constant 0 : index
    %get3A_13 = vector.load %arg2[%get3A_11, %get3A_12] : memref<1x8xf32, #tpu.memory_space<vmem>>, vector<1x8xf32>
    %get3A_14 = vector.shape_cast %get3A_13 : vector<1x8xf32> to vector<8xf32>
    %broadcast_in_dim3A = vector.shape_cast %get3A_14 : vector<8xf32> to vector<1x8xf32>
    %add3A = vector.broadcast %broadcast_in_dim3A : vector<1x8xf32> to vector<2048x8xf32>
    %add3A_15 = arith.addf %logistic3A_10, %add3A : vector<2048x8xf32>
    %iota3A = tpu.iota {dimensions = array<i32: 1>} : vector<2048x8xi32>
    %reduce_max3A = arith.constant dense<0xFF800000> : vector<2048xf32>
    %reduce_max3A_16 = vector.multi_reduction <maximumf>, %add3A_15, %reduce_max3A [1] : vector<2048x8xf32> to vector<2048xf32>
    %broadcast_in_dim3A_17 = vector.shape_cast %reduce_max3A_16 : vector<2048xf32> to vector<2048x1xf32>
    %eq3A = vector.broadcast %broadcast_in_dim3A_17 : vector<2048x1xf32> to vector<2048x8xf32>
    %eq3A_18 = arith.cmpf oeq, %add3A_15, %eq3A : vector<2048x8xf32>
    %jit3A = arith.constant 8 : i32
    %broadcast_in_dim3A_19 = vector.broadcast %jit3A : i32 to vector<2048x8xi32>
    %select_n3A = arith.select %eq3A_18, %iota3A, %broadcast_in_dim3A_19 : vector<2048x8xi1>, vector<2048x8xi32>
    %reduce_min3A = arith.constant dense<2147483647> : vector<2048xi32>
    %reduce_min3A_20 = vector.multi_reduction <minsi>, %select_n3A, %reduce_min3A [1] : vector<2048x8xi32> to vector<2048xi32>
    %broadcast_in_dim3A_21 = vector.shape_cast %reduce_min3A_20 : vector<2048xi32> to vector<2048x1xi32>
    %eq3A_22 = vector.broadcast %broadcast_in_dim3A_21 : vector<2048x1xi32> to vector<2048x8xi32>
    %eq3A_23 = arith.cmpi eq, %iota3A, %eq3A_22 : vector<2048x8xi32>
    %jit3A_24 = arith.constant -1.000000e+30 : f32
    %broadcast_in_dim3A_25 = vector.broadcast %jit3A_24 : f32 to vector<2048x8xf32>
    %select_n3A_26 = arith.select %eq3A_23, %broadcast_in_dim3A_25, %add3A_15 : vector<2048x8xi1>, vector<2048x8xf32>
    %reduce_max3A_27 = arith.constant dense<0xFF800000> : vector<2048xf32>
    %reduce_max3A_28 = vector.multi_reduction <maximumf>, %select_n3A_26, %reduce_max3A_27 [1] : vector<2048x8xf32> to vector<2048xf32>
    %broadcast_in_dim3A_29 = vector.shape_cast %reduce_max3A_28 : vector<2048xf32> to vector<2048x1xf32>
    %eq3A_30 = vector.broadcast %broadcast_in_dim3A_29 : vector<2048x1xf32> to vector<2048x8xf32>
    %eq3A_31 = arith.cmpf oeq, %select_n3A_26, %eq3A_30 : vector<2048x8xf32>
    %jit3A_32 = arith.constant 8 : i32
    %broadcast_in_dim3A_33 = vector.broadcast %jit3A_32 : i32 to vector<2048x8xi32>
    %select_n3A_34 = arith.select %eq3A_31, %iota3A, %broadcast_in_dim3A_33 : vector<2048x8xi1>, vector<2048x8xi32>
    %reduce_min3A_35 = arith.constant dense<2147483647> : vector<2048xi32>
    %reduce_min3A_36 = vector.multi_reduction <minsi>, %select_n3A_34, %reduce_min3A_35 [1] : vector<2048x8xi32> to vector<2048xi32>
    %broadcast_in_dim3A_37 = vector.shape_cast %reduce_min3A_36 : vector<2048xi32> to vector<2048x1xi32>
    %eq3A_38 = vector.broadcast %broadcast_in_dim3A_21 : vector<2048x1xi32> to vector<2048x8xi32>
    %eq3A_39 = arith.cmpi eq, %iota3A, %eq3A_38 : vector<2048x8xi32>
    %jit3A_40 = arith.constant 0.000000e+00 : f32
    %broadcast_in_dim3A_41 = vector.broadcast %jit3A_40 : f32 to vector<2048x8xf32>
    %select_n3A_42 = arith.select %eq3A_39, %logistic3A_10, %broadcast_in_dim3A_41 : vector<2048x8xi1>, vector<2048x8xf32>
    %reduce_sum3A = arith.constant dense<0.000000e+00> : vector<2048xf32>
    %reduce_sum3A_43 = vector.multi_reduction <add>, %select_n3A_42, %reduce_sum3A [1] : vector<2048x8xf32> to vector<2048xf32>
    %broadcast_in_dim3A_44 = vector.shape_cast %reduce_sum3A_43 : vector<2048xf32> to vector<2048x1xf32>
    %eq3A_45 = vector.broadcast %broadcast_in_dim3A_37 : vector<2048x1xi32> to vector<2048x8xi32>
    %eq3A_46 = arith.cmpi eq, %iota3A, %eq3A_45 : vector<2048x8xi32>
    %jit3A_47 = arith.constant 0.000000e+00 : f32
    %broadcast_in_dim3A_48 = vector.broadcast %jit3A_47 : f32 to vector<2048x8xf32>
    %select_n3A_49 = arith.select %eq3A_46, %logistic3A_10, %broadcast_in_dim3A_48 : vector<2048x8xi1>, vector<2048x8xf32>
    %reduce_sum3A_50 = arith.constant dense<0.000000e+00> : vector<2048xf32>
    %reduce_sum3A_51 = vector.multi_reduction <add>, %select_n3A_49, %reduce_sum3A_50 [1] : vector<2048x8xf32> to vector<2048xf32>
    %broadcast_in_dim3A_52 = vector.shape_cast %reduce_sum3A_51 : vector<2048xf32> to vector<2048x1xf32>
    %add3A_53 = arith.addf %broadcast_in_dim3A_44, %broadcast_in_dim3A_52 : vector<2048x1xf32>
    %div3A = arith.divf %broadcast_in_dim3A_44, %add3A_53 : vector<2048x1xf32>
    %mul3A = arith.constant 2.500000e+00 : f32
    %mul3A_54 = vector.broadcast %mul3A : f32 to vector<2048x1xf32>
    %mul3A_55 = arith.mulf %div3A, %mul3A_54 : vector<2048x1xf32>
    %div3A_56 = arith.divf %broadcast_in_dim3A_52, %add3A_53 : vector<2048x1xf32>
    %mul3A_57 = arith.constant 2.500000e+00 : f32
    %mul3A_58 = vector.broadcast %mul3A_57 : f32 to vector<2048x1xf32>
    %mul3A_59 = arith.mulf %div3A_56, %mul3A_58 : vector<2048x1xf32>
    %eq3A_60 = vector.broadcast %broadcast_in_dim3A_21 : vector<2048x1xi32> to vector<2048x8xi32>
    %eq3A_61 = arith.cmpi eq, %iota3A, %eq3A_60 : vector<2048x8xi32>
    %eq3A_62 = vector.broadcast %broadcast_in_dim3A_37 : vector<2048x1xi32> to vector<2048x8xi32>
    %eq3A_63 = arith.cmpi eq, %iota3A, %eq3A_62 : vector<2048x8xi32>
    %or3A = arith.ori %eq3A_61, %eq3A_63 : vector<2048x8xi1>
    %convert_element_type3A = arith.extui %or3A : vector<2048x8xi1> to vector<2048x8xi32>
    %convert_element_type3A_64 = arith.sitofp %convert_element_type3A : vector<2048x8xi32> to vector<2048x8xf32>
    %convert_element_type3A_65 = arith.truncf %convert_element_type3A_64 : vector<2048x8xf32> to vector<2048x8xbf16>
    %get3A_66 = arith.constant 0 : index
    %get3A_67 = arith.constant 0 : index
    %get3A_68 = vector.load %arg3[%get3A_66, %get3A_67] : memref<2048x2048xbf16, #tpu.memory_space<vmem>>, vector<2048x2048xbf16>
    %dot_general3A_69 = arith.constant dense<0.000000e+00> : vector<2048x8xf32>
    %dot_general3A_70 = tpu.matmul %get3A_68, %convert_element_type3A_65, %dot_general3A_69 {dimension_numbers = #tpu.dot_dimension_numbers<[1], [0], [0], [1], [0, 0, 1, 1], [], []>, transpose_lhs_hint = false} : vector<2048x2048xbf16>, vector<2048x8xbf16>, vector<2048x8xf32> -> vector<2048x8xf32>
    %convert_element_type3A_71 = arith.extf %convert_element_type3A_65 : vector<2048x8xbf16> to vector<2048x8xf32>
    %reduce_sum3A_72 = arith.constant dense<0.000000e+00> : vector<8xf32>
    %reduce_sum3A_73 = vector.multi_reduction <add>, %convert_element_type3A_71, %reduce_sum3A_72 [0] : vector<2048x8xf32> to vector<8xf32>
    %broadcast_in_dim3A_74 = vector.shape_cast %reduce_sum3A_73 : vector<8xf32> to vector<1x8xf32>
    %add3A_75 = arith.constant 2.550000e+02 : f32
    %add3A_76 = vector.broadcast %add3A_75 : f32 to vector<1x8xf32>
    %add3A_77 = arith.addf %broadcast_in_dim3A_74, %add3A_76 : vector<1x8xf32>
    %div3A_78 = arith.constant 2.560000e+02 : f32
    %div3A_79 = vector.broadcast %div3A_78 : f32 to vector<1x8xf32>
    %div3A_80 = arith.divf %add3A_77, %div3A_79 : vector<1x8xf32>
    %floor3A = math.floor %div3A_80 : vector<1x8xf32>
    %mul3A_81 = arith.constant 2.560000e+02 : f32
    %mul3A_82 = vector.broadcast %mul3A_81 : f32 to vector<1x8xf32>
    %mul3A_83 = arith.mulf %floor3A, %mul3A_82 : vector<1x8xf32>
    %iota3A_84 = tpu.iota {dimensions = array<i32: 0>} : vector<8x8xi32>
    %iota3A_85 = tpu.iota {dimensions = array<i32: 1>} : vector<8x8xi32>
    %le3A = arith.cmpi sle, %iota3A_84, %iota3A_85 : vector<8x8xi32>
    %convert_element_type3A_86 = arith.extui %le3A : vector<8x8xi1> to vector<8x8xi32>
    %convert_element_type3A_87 = arith.sitofp %convert_element_type3A_86 : vector<8x8xi32> to vector<8x8xf32>
    %dot_general3A_88 = arith.constant dense<0.000000e+00> : vector<1x8xf32>
    %dot_general3A_89 = tpu.matmul %mul3A_83, %convert_element_type3A_87, %dot_general3A_88 {dimension_numbers = #tpu.dot_dimension_numbers<[1], [0], [0], [1], [0, 0, 1, 1], [], []>, transpose_lhs_hint = false} : vector<1x8xf32>, vector<8x8xf32>, vector<1x8xf32> -> vector<1x8xf32>
    %sub3A = arith.subf %dot_general3A_89, %mul3A_83 : vector<1x8xf32>
    %eq3A_90 = vector.broadcast %broadcast_in_dim3A_21 : vector<2048x1xi32> to vector<2048x8xi32>
    %eq3A_91 = arith.cmpi eq, %iota3A, %eq3A_90 : vector<2048x8xi32>
    %jit3A_92 = arith.constant 0.000000e+00 : f32
    %broadcast_in_dim3A_93 = vector.broadcast %jit3A_92 : f32 to vector<2048x8xf32>
    %select_n3A_94 = arith.select %eq3A_91, %dot_general3A_70, %broadcast_in_dim3A_93 : vector<2048x8xi1>, vector<2048x8xf32>
    %reduce_sum3A_95 = arith.constant dense<0.000000e+00> : vector<2048xf32>
    %reduce_sum3A_96 = vector.multi_reduction <add>, %select_n3A_94, %reduce_sum3A_95 [1] : vector<2048x8xf32> to vector<2048xf32>
    %broadcast_in_dim3A_97 = vector.shape_cast %reduce_sum3A_96 : vector<2048xf32> to vector<2048x1xf32>
    %eq3A_98 = vector.broadcast %broadcast_in_dim3A_37 : vector<2048x1xi32> to vector<2048x8xi32>
    %eq3A_99 = arith.cmpi eq, %iota3A, %eq3A_98 : vector<2048x8xi32>
    %jit3A_100 = arith.constant 0.000000e+00 : f32
    %broadcast_in_dim3A_101 = vector.broadcast %jit3A_100 : f32 to vector<2048x8xf32>
    %select_n3A_102 = arith.select %eq3A_99, %dot_general3A_70, %broadcast_in_dim3A_101 : vector<2048x8xi1>, vector<2048x8xf32>
    %reduce_sum3A_103 = arith.constant dense<0.000000e+00> : vector<2048xf32>
    %reduce_sum3A_104 = vector.multi_reduction <add>, %select_n3A_102, %reduce_sum3A_103 [1] : vector<2048x8xf32> to vector<2048xf32>
    %broadcast_in_dim3A_105 = vector.shape_cast %reduce_sum3A_104 : vector<2048xf32> to vector<2048x1xf32>
    %eq3A_106 = vector.broadcast %broadcast_in_dim3A_21 : vector<2048x1xi32> to vector<2048x8xi32>
    %eq3A_107 = arith.cmpi eq, %iota3A, %eq3A_106 : vector<2048x8xi32>
    %jit3A_108 = arith.constant 0.000000e+00 : f32
    %broadcast_in_dim3A_109 = vector.shape_cast %sub3A : vector<1x8xf32> to vector<1x8xf32>
    %broadcast_in_dim3A_110 = vector.broadcast %broadcast_in_dim3A_109 : vector<1x8xf32> to vector<2048x8xf32>
    %broadcast_in_dim3A_111 = vector.broadcast %jit3A_108 : f32 to vector<2048x8xf32>
    %select_n3A_112 = arith.select %eq3A_107, %broadcast_in_dim3A_110, %broadcast_in_dim3A_111 : vector<2048x8xi1>, vector<2048x8xf32>
    %reduce_sum3A_113 = arith.constant dense<0.000000e+00> : vector<2048xf32>
    %reduce_sum3A_114 = vector.multi_reduction <add>, %select_n3A_112, %reduce_sum3A_113 [1] : vector<2048x8xf32> to vector<2048xf32>
    %broadcast_in_dim3A_115 = vector.shape_cast %reduce_sum3A_114 : vector<2048xf32> to vector<2048x1xf32>
    %eq3A_116 = vector.broadcast %broadcast_in_dim3A_37 : vector<2048x1xi32> to vector<2048x8xi32>
    %eq3A_117 = arith.cmpi eq, %iota3A, %eq3A_116 : vector<2048x8xi32>
    %jit3A_118 = arith.constant 0.000000e+00 : f32
    %broadcast_in_dim3A_119 = vector.shape_cast %sub3A : vector<1x8xf32> to vector<1x8xf32>
    %broadcast_in_dim3A_120 = vector.broadcast %broadcast_in_dim3A_119 : vector<1x8xf32> to vector<2048x8xf32>
    %broadcast_in_dim3A_121 = vector.broadcast %jit3A_118 : f32 to vector<2048x8xf32>
    %select_n3A_122 = arith.select %eq3A_117, %broadcast_in_dim3A_120, %broadcast_in_dim3A_121 : vector<2048x8xi1>, vector<2048x8xf32>
    %reduce_sum3A_123 = arith.constant dense<0.000000e+00> : vector<2048xf32>
    %reduce_sum3A_124 = vector.multi_reduction <add>, %select_n3A_122, %reduce_sum3A_123 [1] : vector<2048x8xf32> to vector<2048xf32>
    %broadcast_in_dim3A_125 = vector.shape_cast %reduce_sum3A_124 : vector<2048xf32> to vector<2048x1xf32>
    %add3A_126 = arith.addf %broadcast_in_dim3A_115, %broadcast_in_dim3A_97 : vector<2048x1xf32>
    %convert_element_type3A_127 = arith.fptosi %add3A_126 : vector<2048x1xf32> to vector<2048x1xi32>
    %add3A_128 = arith.addf %broadcast_in_dim3A_125, %broadcast_in_dim3A_105 : vector<2048x1xf32>
    %convert_element_type3A_129 = arith.fptosi %add3A_128 : vector<2048x1xf32> to vector<2048x1xi32>
    %reshape3A = vector.shape_cast %convert_element_type3A_127 : vector<2048x1xi32> to vector<1x2048xi32>
    %reshape3A_130 = vector.shape_cast %convert_element_type3A_129 : vector<2048x1xi32> to vector<1x2048xi32>
    %broadcast_in_dim3A_131 = arith.constant 0 : i32
    %broadcast_in_dim3A_132 = vector.broadcast %broadcast_in_dim3A_131 : i32 to vector<6x2048xi32>
    %concatenate3A = tpu.concatenate %reshape3A, %reshape3A_130, %broadcast_in_dim3A_132 in 0 : vector<1x2048xi32>, vector<1x2048xi32>, vector<6x2048xi32> -> vector<8x2048xi32>
    %swap3A = arith.constant 0 : index
    %swap3A_133 = arith.constant 0 : index
    %swap3A_134 = vector.load %arg4[%swap3A, %swap3A_133] : memref<8x2048xi32, #tpu.memory_space<vmem>>, vector<8x2048xi32>
    tpu.vector_store %arg4[%swap3A, %swap3A_133], %concatenate3A {strides = array<i32>} : memref<8x2048xi32, #tpu.memory_space<vmem>>, vector<8x2048xi32>,
    %reshape3A_135 = vector.shape_cast %mul3A_55 : vector<2048x1xf32> to vector<1x2048xf32>
    %reshape3A_136 = vector.shape_cast %mul3A_59 : vector<2048x1xf32> to vector<1x2048xf32>
    %broadcast_in_dim3A_137 = arith.constant 0.000000e+00 : f32
    %broadcast_in_dim3A_138 = vector.broadcast %broadcast_in_dim3A_137 : f32 to vector<6x2048xf32>
    %concatenate3A_139 = tpu.concatenate %reshape3A_135, %reshape3A_136, %broadcast_in_dim3A_138 in 0 : vector<1x2048xf32>, vector<1x2048xf32>, vector<6x2048xf32> -> vector<8x2048xf32>
    %swap3A_140 = arith.constant 0 : index
    %swap3A_141 = arith.constant 0 : index
    %swap3A_142 = vector.load %arg5[%swap3A_140, %swap3A_141] : memref<8x2048xf32, #tpu.memory_space<vmem>>, vector<8x2048xf32>
    tpu.vector_store %arg5[%swap3A_140, %swap3A_141], %concatenate3A_139 {strides = array<i32>} : memref<8x2048xf32, #tpu.memory_space<vmem>>, vector<8x2048xf32>,
    %iota3A_143 = tpu.iota {dimensions = array<i32: 1>} : vector<8x128xi32>
    %convert_element_type3A_144 = arith.sitofp %iota3A_143 : vector<8x128xi32> to vector<8x128xf32>
    %mul3A_145 = arith.constant 2.560000e+02 : f32
    %mul3A_146 = vector.broadcast %mul3A_145 : f32 to vector<8x128xf32>
    %mul3A_147 = arith.mulf %convert_element_type3A_144, %mul3A_146 : vector<8x128xf32>
    %broadcast_in_dim3A_148 = arith.constant 0 : i32
    %broadcast_in_dim3A_149 = vector.broadcast %broadcast_in_dim3A_148 : i32 to vector<8x128xi32>
    %slice3A = vector.extract_strided_slice %dot_general3A_89 {offsets = [0, 0], sizes = [1, 1], strides = [1, 1]} : vector<1x8xf32> to vector<1x1xf32>
    %squeeze3A = vector.extract %slice3A[0, 0] : f32 from vector<1x1xf32>
    %ge3A = vector.broadcast %squeeze3A : f32 to vector<8x128xf32>
    %ge3A_150 = arith.cmpf oge, %mul3A_147, %ge3A : vector<8x128xf32>
    %convert_element_type3A_151 = arith.extui %ge3A_150 : vector<8x128xi1> to vector<8x128xi32>
    %add3A_152 = arith.addi %broadcast_in_dim3A_149, %convert_element_type3A_151 : vector<8x128xi32>
    %slice3A_153 = vector.extract_strided_slice %dot_general3A_89 {offsets = [0, 1], sizes = [1, 1], strides = [1, 1]} : vector<1x8xf32> to vector<1x1xf32>
    %squeeze3A_154 = vector.extract %slice3A_153[0, 0] : f32 from vector<1x1xf32>
    %ge3A_155 = vector.broadcast %squeeze3A_154 : f32 to vector<8x128xf32>
    %ge3A_156 = arith.cmpf oge, %mul3A_147, %ge3A_155 : vector<8x128xf32>
    %convert_element_type3A_157 = arith.extui %ge3A_156 : vector<8x128xi1> to vector<8x128xi32>
    %add3A_158 = arith.addi %add3A_152, %convert_element_type3A_157 : vector<8x128xi32>
    %slice3A_159 = vector.extract_strided_slice %dot_general3A_89 {offsets = [0, 2], sizes = [1, 1], strides = [1, 1]} : vector<1x8xf32> to vector<1x1xf32>
    %squeeze3A_160 = vector.extract %slice3A_159[0, 0] : f32 from vector<1x1xf32>
    %ge3A_161 = vector.broadcast %squeeze3A_160 : f32 to vector<8x128xf32>
    %ge3A_162 = arith.cmpf oge, %mul3A_147, %ge3A_161 : vector<8x128xf32>
    %convert_element_type3A_163 = arith.extui %ge3A_162 : vector<8x128xi1> to vector<8x128xi32>
    %add3A_164 = arith.addi %add3A_158, %convert_element_type3A_163 : vector<8x128xi32>
    %slice3A_165 = vector.extract_strided_slice %dot_general3A_89 {offsets = [0, 3], sizes = [1, 1], strides = [1, 1]} : vector<1x8xf32> to vector<1x1xf32>
    %squeeze3A_166 = vector.extract %slice3A_165[0, 0] : f32 from vector<1x1xf32>
    %ge3A_167 = vector.broadcast %squeeze3A_166 : f32 to vector<8x128xf32>
    %ge3A_168 = arith.cmpf oge, %mul3A_147, %ge3A_167 : vector<8x128xf32>
    %convert_element_type3A_169 = arith.extui %ge3A_168 : vector<8x128xi1> to vector<8x128xi32>
    %add3A_170 = arith.addi %add3A_164, %convert_element_type3A_169 : vector<8x128xi32>
    %slice3A_171 = vector.extract_strided_slice %dot_general3A_89 {offsets = [0, 4], sizes = [1, 1], strides = [1, 1]} : vector<1x8xf32> to vector<1x1xf32>
    %squeeze3A_172 = vector.extract %slice3A_171[0, 0] : f32 from vector<1x1xf32>
    %ge3A_173 = vector.broadcast %squeeze3A_172 : f32 to vector<8x128xf32>
    %ge3A_174 = arith.cmpf oge, %mul3A_147, %ge3A_173 : vector<8x128xf32>
    %convert_element_type3A_175 = arith.extui %ge3A_174 : vector<8x128xi1> to vector<8x128xi32>
    %add3A_176 = arith.addi %add3A_170, %convert_element_type3A_175 : vector<8x128xi32>
    %slice3A_177 = vector.extract_strided_slice %dot_general3A_89 {offsets = [0, 5], sizes = [1, 1], strides = [1, 1]} : vector<1x8xf32> to vector<1x1xf32>
    %squeeze3A_178 = vector.extract %slice3A_177[0, 0] : f32 from vector<1x1xf32>
    %ge3A_179 = vector.broadcast %squeeze3A_178 : f32 to vector<8x128xf32>
    %ge3A_180 = arith.cmpf oge, %mul3A_147, %ge3A_179 : vector<8x128xf32>
    %convert_element_type3A_181 = arith.extui %ge3A_180 : vector<8x128xi1> to vector<8x128xi32>
    %add3A_182 = arith.addi %add3A_176, %convert_element_type3A_181 : vector<8x128xi32>
    %slice3A_183 = vector.extract_strided_slice %dot_general3A_89 {offsets = [0, 6], sizes = [1, 1], strides = [1, 1]} : vector<1x8xf32> to vector<1x1xf32>
    %squeeze3A_184 = vector.extract %slice3A_183[0, 0] : f32 from vector<1x1xf32>
    %ge3A_185 = vector.broadcast %squeeze3A_184 : f32 to vector<8x128xf32>
    %ge3A_186 = arith.cmpf oge, %mul3A_147, %ge3A_185 : vector<8x128xf32>
    %convert_element_type3A_187 = arith.extui %ge3A_186 : vector<8x128xi1> to vector<8x128xi32>
    %add3A_188 = arith.addi %add3A_182, %convert_element_type3A_187 : vector<8x128xi32>
    %slice3A_189 = vector.extract_strided_slice %dot_general3A_89 {offsets = [0, 7], sizes = [1, 1], strides = [1, 1]} : vector<1x8xf32> to vector<1x1xf32>
    %squeeze3A_190 = vector.extract %slice3A_189[0, 0] : f32 from vector<1x1xf32>
    %ge3A_191 = vector.broadcast %squeeze3A_190 : f32 to vector<8x128xf32>
    %ge3A_192 = arith.cmpf oge, %mul3A_147, %ge3A_191 : vector<8x128xf32>
    %convert_element_type3A_193 = arith.extui %ge3A_192 : vector<8x128xi1> to vector<8x128xi32>
    %add3A_194 = arith.addi %add3A_188, %convert_element_type3A_193 : vector<8x128xi32>
    %min3A = arith.constant 7 : i32
    %min3A_195 = vector.broadcast %min3A : i32 to vector<8x128xi32>
    %min3A_196 = arith.minsi %add3A_194, %min3A_195 : vector<8x128xi32>
    %swap3A_197 = arith.constant 0 : index
    %swap3A_198 = arith.constant 0 : index
    %swap3A_199 = vector.load %arg6[%swap3A_197, %swap3A_198] : memref<8x128xi32, #tpu.memory_space<vmem>>, vector<8x128xi32>
    tpu.vector_store %arg6[%swap3A_197, %swap3A_198], %min3A_196 {strides = array<i32>} : memref<8x128xi32, #tpu.memory_space<vmem>>, vector<8x128xi32>,
    return
  }
}

module attributes {stable_mosaic.version = 14 : i64} {
  func.func @_routed_body(%arg0: i32, %arg1: memref<24xi32, #tpu.memory_space<smem>>, %arg2: memref<256x1024xf32, #tpu.memory_space<vmem>>, %arg3: memref<1x2048x1024xf32, #tpu.memory_space<vmem>>, %arg4: memref<1x1024x1024xf32, #tpu.memory_space<vmem>>, %arg5: memref<256x1024xf32, #tpu.memory_space<vmem>>) attributes {dimension_semantics = [#tpu.dimension_semantics<arbitrary>], iteration_bounds = array<i64: 24>, scalar_prefetch = 1 : i64, scratch_operands = 0 : i64, tpu.core_type = #tpu.core_type<tc>, window_params = [{transform_indices = @transform_0, window_bounds = array<i64: 256, 1024>}, {transform_indices = @transform_1, window_bounds = array<i64: 1, 2048, 1024>}, {transform_indices = @transform_2, window_bounds = array<i64: 1, 1024, 1024>}, {transform_indices = @transform_3, window_bounds = array<i64: 256, 1024>}]} {
    %get3A = arith.constant 0 : index
    %get3A_0 = arith.constant 0 : index
    %get3A_1 = vector.load %arg2[%get3A, %get3A_0] : memref<256x1024xf32, #tpu.memory_space<vmem>>, vector<256x1024xf32>
    %get3A_2 = arith.constant 0 : index
    %get3A_3 = arith.constant 0 : index
    %get3A_4 = arith.constant 0 : index
    %get3A_5 = vector.load %arg3[%get3A_2, %get3A_3, %get3A_4] : memref<1x2048x1024xf32, #tpu.memory_space<vmem>>, vector<1x2048x1024xf32>
    %get3A_6 = vector.shape_cast %get3A_5 : vector<1x2048x1024xf32> to vector<2048x1024xf32>
    %dot_general3A = arith.constant dense<0.000000e+00> : vector<256x2048xf32>
    %dot_general3A_7 = tpu.matmul %get3A_1, %get3A_6, %dot_general3A {dimension_numbers = #tpu.dot_dimension_numbers<[1], [1], [0], [0], [0, 0, 1, 0], [], []>, transpose_lhs_hint = false} : vector<256x1024xf32>, vector<2048x1024xf32>, vector<256x2048xf32> -> vector<256x2048xf32>
    %slice3A = vector.extract_strided_slice %dot_general3A_7 {offsets = [0, 0], sizes = [256, 1024], strides = [1, 1]} : vector<256x2048xf32> to vector<256x1024xf32>
    %slice3A_8 = vector.extract_strided_slice %dot_general3A_7 {offsets = [0, 1024], sizes = [256, 1024], strides = [1, 1]} : vector<256x2048xf32> to vector<256x1024xf32>
    %logistic3A = arith.negf %slice3A : vector<256x1024xf32>
    %logistic3A_9 = math.exp %logistic3A : vector<256x1024xf32>
    %logistic3A_10 = arith.constant 1.000000e+00 : f32
    %logistic3A_11 = vector.broadcast %logistic3A_10 : f32 to vector<256x1024xf32>
    %logistic3A_12 = arith.addf %logistic3A_11, %logistic3A_9 : vector<256x1024xf32>
    %logistic3A_13 = arith.divf %logistic3A_11, %logistic3A_12 : vector<256x1024xf32>
    %mul3A = arith.mulf %slice3A, %logistic3A_13 : vector<256x1024xf32>
    %mul3A_14 = arith.mulf %mul3A, %slice3A_8 : vector<256x1024xf32>
    %get3A_15 = arith.constant 0 : index
    %get3A_16 = arith.constant 0 : index
    %get3A_17 = arith.constant 0 : index
    %get3A_18 = vector.load %arg4[%get3A_15, %get3A_16, %get3A_17] : memref<1x1024x1024xf32, #tpu.memory_space<vmem>>, vector<1x1024x1024xf32>
    %get3A_19 = vector.shape_cast %get3A_18 : vector<1x1024x1024xf32> to vector<1024x1024xf32>
    %dot_general3A_20 = arith.constant dense<0.000000e+00> : vector<256x1024xf32>
    %dot_general3A_21 = tpu.matmul %mul3A_14, %get3A_19, %dot_general3A_20 {dimension_numbers = #tpu.dot_dimension_numbers<[1], [1], [0], [0], [0, 0, 1, 0], [], []>, transpose_lhs_hint = false} : vector<256x1024xf32>, vector<1024x1024xf32>, vector<256x1024xf32> -> vector<256x1024xf32>
    %swap3A = arith.constant 0 : index
    %swap3A_22 = arith.constant 0 : index
    %swap3A_23 = vector.load %arg5[%swap3A, %swap3A_22] : memref<256x1024xf32, #tpu.memory_space<vmem>>, vector<256x1024xf32>
    tpu.vector_store %arg5[%swap3A, %swap3A_22], %dot_general3A_21 {strides = array<i32>} : memref<256x1024xf32, #tpu.memory_space<vmem>>, vector<256x1024xf32>,
    return
  }
  func.func @transform_0(%arg0: i32, %arg1: memref<24xi32, #tpu.memory_space<smem>>) -> (i32, i32) {
    %c0_i32 = arith.constant 0 : i32
    %c0_i32_0 = arith.constant 0 : i32
    return %arg0, %c0_i32 : i32, i32
  }
  func.func @transform_1(%arg0: i32, %arg1: memref<24xi32, #tpu.memory_space<smem>>) -> (i32, i32, i32) {
    %get3A = arith.index_cast %arg0 : i32 to index
    %get3A_0 = memref.load %arg1[%get3A] : memref<24xi32, #tpu.memory_space<smem>>
    %c0_i32 = arith.constant 0 : i32
    %c0_i32_1 = arith.constant 0 : i32
    %c0_i32_2 = arith.constant 0 : i32
    return %get3A_0, %c0_i32, %c0_i32_1 : i32, i32, i32
  }
  func.func @transform_2(%arg0: i32, %arg1: memref<24xi32, #tpu.memory_space<smem>>) -> (i32, i32, i32) {
    %get3A = arith.index_cast %arg0 : i32 to index
    %get3A_0 = memref.load %arg1[%get3A] : memref<24xi32, #tpu.memory_space<smem>>
    %c0_i32 = arith.constant 0 : i32
    %c0_i32_1 = arith.constant 0 : i32
    %c0_i32_2 = arith.constant 0 : i32
    return %get3A_0, %c0_i32, %c0_i32_1 : i32, i32, i32
  }
  func.func @transform_3(%arg0: i32, %arg1: memref<24xi32, #tpu.memory_space<smem>>) -> (i32, i32) {
    %c0_i32 = arith.constant 0 : i32
    %c0_i32_0 = arith.constant 0 : i32
    return %arg0, %c0_i32 : i32, i32
  }
}

module attributes {stable_mosaic.version = 14 : i64} {
  func.func @_shared_body(%arg0: i32, %arg1: memref<256x1024xf32, #tpu.memory_space<vmem>>, %arg2: memref<2048x1024xf32, #tpu.memory_space<vmem>>, %arg3: memref<1024x1024xf32, #tpu.memory_space<vmem>>, %arg4: memref<256x1024xf32, #tpu.memory_space<vmem>>, %arg5: memref<256x1024xf32, #tpu.memory_space<vmem>>, %arg6: memref<2x1x256xf32, #tpu.memory_space<vmem>>, %arg7: memref<256x1024xf32, #tpu.memory_space<vmem>>) attributes {dimension_semantics = [#tpu.dimension_semantics<arbitrary>], iteration_bounds = array<i64: 8>, scalar_prefetch = 0 : i64, scratch_operands = 0 : i64, tpu.core_type = #tpu.core_type<tc>, window_params = [{transform_indices = @transform_0, window_bounds = array<i64: 256, 1024>}, {pipeline_mode = #tpu.pipeline_mode<synchronous>, transform_indices = @transform_1, window_bounds = array<i64: 2048, 1024>}, {pipeline_mode = #tpu.pipeline_mode<synchronous>, transform_indices = @transform_2, window_bounds = array<i64: 1024, 1024>}, {transform_indices = @transform_3, window_bounds = array<i64: 256, 1024>}, {transform_indices = @transform_4, window_bounds = array<i64: 256, 1024>}, {transform_indices = @transform_5, window_bounds = array<i64: 2, 1, 256>}, {transform_indices = @transform_6, window_bounds = array<i64: 256, 1024>}]} {
    %get3A = arith.constant 0 : index
    %get3A_0 = arith.constant 0 : index
    %get3A_1 = vector.load %arg1[%get3A, %get3A_0] : memref<256x1024xf32, #tpu.memory_space<vmem>>, vector<256x1024xf32>
    %get3A_2 = arith.constant 0 : index
    %get3A_3 = arith.constant 0 : index
    %get3A_4 = vector.load %arg2[%get3A_2, %get3A_3] : memref<2048x1024xf32, #tpu.memory_space<vmem>>, vector<2048x1024xf32>
    %dot_general3A = arith.constant dense<0.000000e+00> : vector<256x2048xf32>
    %dot_general3A_5 = tpu.matmul %get3A_1, %get3A_4, %dot_general3A {dimension_numbers = #tpu.dot_dimension_numbers<[1], [1], [0], [0], [0, 0, 1, 0], [], []>, transpose_lhs_hint = false} : vector<256x1024xf32>, vector<2048x1024xf32>, vector<256x2048xf32> -> vector<256x2048xf32>
    %slice3A = vector.extract_strided_slice %dot_general3A_5 {offsets = [0, 0], sizes = [256, 1024], strides = [1, 1]} : vector<256x2048xf32> to vector<256x1024xf32>
    %slice3A_6 = vector.extract_strided_slice %dot_general3A_5 {offsets = [0, 1024], sizes = [256, 1024], strides = [1, 1]} : vector<256x2048xf32> to vector<256x1024xf32>
    %logistic3A = arith.negf %slice3A : vector<256x1024xf32>
    %logistic3A_7 = math.exp %logistic3A : vector<256x1024xf32>
    %logistic3A_8 = arith.constant 1.000000e+00 : f32
    %logistic3A_9 = vector.broadcast %logistic3A_8 : f32 to vector<256x1024xf32>
    %logistic3A_10 = arith.addf %logistic3A_9, %logistic3A_7 : vector<256x1024xf32>
    %logistic3A_11 = arith.divf %logistic3A_9, %logistic3A_10 : vector<256x1024xf32>
    %mul3A = arith.mulf %slice3A, %logistic3A_11 : vector<256x1024xf32>
    %mul3A_12 = arith.mulf %mul3A, %slice3A_6 : vector<256x1024xf32>
    %get3A_13 = arith.constant 0 : index
    %get3A_14 = arith.constant 0 : index
    %get3A_15 = vector.load %arg3[%get3A_13, %get3A_14] : memref<1024x1024xf32, #tpu.memory_space<vmem>>, vector<1024x1024xf32>
    %dot_general3A_16 = arith.constant dense<0.000000e+00> : vector<256x1024xf32>
    %dot_general3A_17 = tpu.matmul %mul3A_12, %get3A_15, %dot_general3A_16 {dimension_numbers = #tpu.dot_dimension_numbers<[1], [1], [0], [0], [0, 0, 1, 0], [], []>, transpose_lhs_hint = false} : vector<256x1024xf32>, vector<1024x1024xf32>, vector<256x1024xf32> -> vector<256x1024xf32>
    %get3A_18 = arith.constant 0 : index
    %get3A_19 = arith.constant 0 : index
    %get3A_20 = arith.constant 0 : index
    %get3A_21 = vector.load %arg6[%get3A_18, %get3A_19, %get3A_20] : memref<2x1x256xf32, #tpu.memory_space<vmem>>, vector<1x1x256xf32>
    %get3A_22 = vector.shape_cast %get3A_21 : vector<1x1x256xf32> to vector<256xf32>
    %broadcast_in_dim3A = vector.shape_cast %get3A_22 : vector<256xf32> to vector<256x1xf32>
    %get3A_23 = arith.constant 1 : index
    %get3A_24 = arith.constant 0 : index
    %get3A_25 = arith.constant 0 : index
    %get3A_26 = vector.load %arg6[%get3A_23, %get3A_24, %get3A_25] : memref<2x1x256xf32, #tpu.memory_space<vmem>>, vector<1x1x256xf32>
    %get3A_27 = vector.shape_cast %get3A_26 : vector<1x1x256xf32> to vector<256xf32>
    %broadcast_in_dim3A_28 = vector.shape_cast %get3A_27 : vector<256xf32> to vector<256x1xf32>
    %get3A_29 = arith.constant 0 : index
    %get3A_30 = arith.constant 0 : index
    %get3A_31 = vector.load %arg4[%get3A_29, %get3A_30] : memref<256x1024xf32, #tpu.memory_space<vmem>>, vector<256x1024xf32>
    %mul3A_32 = vector.broadcast %broadcast_in_dim3A : vector<256x1xf32> to vector<256x1024xf32>
    %mul3A_33 = arith.mulf %mul3A_32, %get3A_31 : vector<256x1024xf32>
    %add3A = arith.addf %dot_general3A_17, %mul3A_33 : vector<256x1024xf32>
    %get3A_34 = arith.constant 0 : index
    %get3A_35 = arith.constant 0 : index
    %get3A_36 = vector.load %arg5[%get3A_34, %get3A_35] : memref<256x1024xf32, #tpu.memory_space<vmem>>, vector<256x1024xf32>
    %mul3A_37 = vector.broadcast %broadcast_in_dim3A_28 : vector<256x1xf32> to vector<256x1024xf32>
    %mul3A_38 = arith.mulf %mul3A_37, %get3A_36 : vector<256x1024xf32>
    %add3A_39 = arith.addf %add3A, %mul3A_38 : vector<256x1024xf32>
    %swap3A = arith.constant 0 : index
    %swap3A_40 = arith.constant 0 : index
    %swap3A_41 = vector.load %arg7[%swap3A, %swap3A_40] : memref<256x1024xf32, #tpu.memory_space<vmem>>, vector<256x1024xf32>
    tpu.vector_store %arg7[%swap3A, %swap3A_40], %add3A_39 {strides = array<i32>} : memref<256x1024xf32, #tpu.memory_space<vmem>>, vector<256x1024xf32>,
    return
  }
  func.func @transform_0(%arg0: i32) -> (i32, i32) {
    %c0_i32 = arith.constant 0 : i32
    %c0_i32_0 = arith.constant 0 : i32
    return %arg0, %c0_i32 : i32, i32
  }
  func.func @transform_1(%arg0: i32) -> (i32, i32) {
    %c0_i32 = arith.constant 0 : i32
    %c0_i32_0 = arith.constant 0 : i32
    %c0_i32_1 = arith.constant 0 : i32
    return %c0_i32, %c0_i32_0 : i32, i32
  }
  func.func @transform_2(%arg0: i32) -> (i32, i32) {
    %c0_i32 = arith.constant 0 : i32
    %c0_i32_0 = arith.constant 0 : i32
    %c0_i32_1 = arith.constant 0 : i32
    return %c0_i32, %c0_i32_0 : i32, i32
  }
  func.func @transform_3(%arg0: i32) -> (i32, i32) {
    %c0_i32 = arith.constant 0 : i32
    %c0_i32_0 = arith.constant 0 : i32
    return %arg0, %c0_i32 : i32, i32
  }
  func.func @transform_4(%arg0: i32) -> (i32, i32) {
    %add3A = arith.constant 8 : i32
    %add3A_0 = arith.addi %add3A, %arg0 : i32
    %c0_i32 = arith.constant 0 : i32
    %c0_i32_1 = arith.constant 0 : i32
    return %add3A_0, %c0_i32 : i32, i32
  }
  func.func @transform_5(%arg0: i32) -> (i32, i32, i32) {
    %c0_i32 = arith.constant 0 : i32
    %c0_i32_0 = arith.constant 0 : i32
    %c0_i32_1 = arith.constant 0 : i32
    return %arg0, %c0_i32, %c0_i32_0 : i32, i32, i32
  }
  func.func @transform_6(%arg0: i32) -> (i32, i32) {
    %c0_i32 = arith.constant 0 : i32
    %c0_i32_0 = arith.constant 0 : i32
    return %arg0, %c0_i32 : i32, i32
  }
}

</mosaic_0001>

<sc_bundles>
// kernel: kernel.10.cloned.1.call-start
scs
__scs_entry_jumppad:
0x0: {  	(pc) =	sbr.rel $0x88, $3  }
0x1: {  	(tag) =	ssettag $0x0;
	lr =	simm.s32 $0x1  }
0x2: {  	[smem:$0x3F9A] =	sst lr;
	_ =	strace $0xD0000000  }
0x3: {  	_ = 	snop  }
0x4: {  	_ = 	snop  }
0x5: {  	_ = 	snop  }
0x6: {  	_ = 	snop  }
0x7: {  	_ = 	snop  }
__scs_overlays_trampoline_lowered:
0x8: {  	[smem:$0x3FA9] =	sst s0  }
0x9: {  	[smem:$0x3FAA] =	sst s1  }
0xa: {  	[smem:$0x3FAB] =	sst s2  }
0xb: {  	[smem:$0x3FAC] =	sst s3  }
0xc: {  	[smem:$0x3FAD] =	sst s4  }
0xd: {  	[smem:$0x3FAE] =	sst s5  }
0xe: {  	[smem:$0x3FAF] =	sst s6  }
0xf: {  	[smem:$0x3FB0] =	sst s7  }
0x10: {  	[smem:$0x3FB1] =	sst s8  }
0x11: {  	[smem:$0x3FB2] =	sst s9;
	s0 =	simm.s32 @!p0 $0x0  }
0x12: {  	s1 =	sld [smem:$0x3F98];
	s0 =	simm.s32 @p0 $0x1  }
0x13: {  	[smem:$0x3FB3] =	sst s0;
	s0 =	simm.s32 @!p1 $0x0  }
0x14: {  	s2 =	sld [smem:$0x3F97];
	s0 =	simm.s32 @p1 $0x1  }
0x15: {  	[smem:$0x3FB4] =	sst s0;
	s0 =	simm.s32 @!p2 $0x0  }
0x16: {  	s3 =	sld [smem:$0x3FDB];
	s0 =	simm.s32 @p2 $0x1  }
0x17: {  	s4 =	simm.s32 $0x1BF5;
	[smem:$0x3FB6] =	sst s0  }
0x18: {  	s0 =	sld [smem:$0x3F99];
	_ =	swait.ge [sflag:s4], $0x0  }
0x19: {  	s7 =	sld [smem:$0x3F9A]  }
0x1a: {  	s8 =	sadd.s32 $0xFFFFE003, lr  }
0x1b: {  	s9 =	sadd.s32 $0xFFFFFEF7, lr;
	s5 =	simm.s32 $0xFFFFFFFF;
	p2 =	slt.u32 s8, $0xFFFFF086  }
0x1c: {  	p1 =	slt.u32 s9, $0xF7A;
	s5 =	simm.s32 @!p2 $0x0  }
0x1d: {  	s5 =	simm.s32 @p1 $0x1;
	p0 =	seq.s32 s7, s2  }
0x1e: {  	s7 =	smul.u32 @!p0 $0xF7A, s2;
	p2 =	seq.s32 @!p0 s5, $0x0  }
0x1f: {  	s9 =	smul.u32 $0xF7A, s1;
	s8 =	simm.s32 @!p0 $0x1BF5;
	p2 =	por !p2, p0  }
0x20: {  	[sflag:s8] =	ssyncset.s32 @!p0 $0xFFFFF086;
	s6 =	sadd.s32 @!p0 s3, s7;
	s7 =	simm.s32 @!p0 $0x108  }
0x21: {  	s3 =	sadd.s32 s3, s9;
	s6 =	sadd.s32 @!p0 $0x88, s6;
	s7 =	simm.s32 @p2 $0x1082  }
0x22: {  	[simem:s7], [sflag:s8] =	dma.local @!p0 [hbm:s6], $0xF7A  }
0x23: {  	s9 =	sor.u32 $0xD0000000, s2;
	s6 =	simm.s32 $0x108;
	_ =	swait.ge @!p0 [sflag:s8], $0x0  }
0x24: {  	s3 =	sadd.s32 $0x88, s3;
	s6 =	simm.s32 @!p1 $0x1082;
	[sflag:s4] =	ssyncset.s32 $0xFFFFF086  }
0x25: {  	[simem:s6], [sflag:s4] =	dma.local [hbm:s3], $0xF7A  }
0x26: {  	[smem:$0x3F9A] =	sst s1;
	(tag) =	ssettag s2;
	_ =	strace s9  }
0x27: {  	s1 =	sld [smem:$0x3FAA]  }
0x28: {  	s2 =	sld [smem:$0x3FAB]  }
0x29: {  	s4 =	sld [smem:$0x3FAD]  }
0x2a: {  	p0 =	seq.s32 s5, $0x0;
	s5 =	sld [smem:$0x3FAE]  }
0x2b: {  	s6 =	sld [smem:$0x3FAF]  }
0x2c: {  	s7 =	sld [smem:$0x3FB0]  }
0x2d: {  	s3 =	simm.s32 $0x108;
	s8 =	sld [smem:$0x3FB1]  }
0x2e: {  	s3 =	simm.s32 @!p0 $0x1082;
	s9 =	sld [smem:$0x3FB2]  }
0x2f: {  	lr =	sadd.s32 s0, s3;
	s0 =	sld [smem:$0x3FA9]  }
0x30: {  	s3 =	sld [smem:$0x3FAC]  }
0x31: {  	[smem:$0x3FB5] =	sst s10  }
0x32: {  	s10 =	sld [smem:$0x3FB3];
	_ =	sdelay $0x3  }
0x33: {  	p0 =	seq.s32 s10, $0x1;
	s10 =	sld [smem:$0x3FB5];
	_ =	sdelay $0x3  }
0x34: {  	[smem:$0x3FB5] =	sst s10  }
0x35: {  	s10 =	sld [smem:$0x3FB4];
	_ =	sdelay $0x3  }
0x36: {  	p1 =	seq.s32 s10, $0x1;
	s10 =	sld [smem:$0x3FB5];
	_ =	sdelay $0x3  }
0x37: {  	[smem:$0x3FB5] =	sst s10  }
0x38: {  	s10 =	sld [smem:$0x3FB6]  }
0x39: {  	_ = 	snop;
	(pc) =	sbr.ind lr, $3  }
0x3a: {  	_ = 	snop  }
0x3b: {  	_ = 	snop  }
0x3c: {  	p2 =	seq.s32 s10, $0x1;
	s10 =	sld [smem:$0x3FB5]  }
0x3d: {  	_ =	shalt  }
0x3e: {  	_ =	shalt  }
0x3f: {  	_ =	shalt  }
0x40: {  	_ =	shalt  }
0x41: {  	_ =	shalt  }
0x42: {  	_ =	shalt  }
0x43: {  	_ =	shalt  }
0x44: {  	_ =	shalt  }
0x45: {  	_ =	shalt  }
0x46: {  	_ =	shalt  }
0x47: {  	_ =	shalt  }
0x48: {  	_ =	shalt  }
0x49: {  	_ =	shalt  }
0x4a: {  	_ =	shalt  }
0x4b: {  	_ =	shalt  }
0x4c: {  	_ =	shalt  }
0x4d: {  	_ =	shalt  }
0x4e: {  	_ =	shalt  }
0x4f: {  	_ =	shalt  }
0x50: {  	_ =	shalt  }
0x51: {  	_ =	shalt  }
0x52: {  	_ =	shalt  }
0x53: {  	_ =	shalt  }
0x54: {  	_ =	shalt  }
0x55: {  	_ =	shalt  }
0x56: {  	_ =	shalt  }
0x57: {  	_ =	shalt  }
0x58: {  	_ =	shalt  }
0x59: {  	_ =	shalt  }
0x5a: {  	_ =	shalt  }
0x5b: {  	_ =	shalt  }
0x5c: {  	_ =	shalt  }
0x5d: {  	_ =	shalt  }
0x5e: {  	_ =	shalt  }
0x5f: {  	_ =	shalt  }
0x60: {  	_ =	shalt  }
0x61: {  	_ =	shalt  }
0x62: {  	_ =	shalt  }
0x63: {  	_ =	shalt  }
0x64: {  	_ =	shalt  }
0x65: {  	_ =	shalt  }
0x66: {  	_ =	shalt  }
0x67: {  	_ =	shalt  }
0x68: {  	_ =	shalt  }
0x69: {  	_ =	shalt  }
0x6a: {  	_ =	shalt  }
0x6b: {  	_ =	shalt  }
0x6c: {  	_ =	shalt  }
0x6d: {  	_ =	shalt  }
0x6e: {  	_ =	shalt  }
0x6f: {  	_ =	shalt  }
0x70: {  	_ =	shalt  }
0x71: {  	_ =	shalt  }
0x72: {  	_ =	shalt  }
0x73: {  	_ =	shalt  }
0x74: {  	_ =	shalt  }
0x75: {  	_ =	shalt  }
0x76: {  	_ =	shalt  }
0x77: {  	_ =	shalt  }
0x78: {  	_ =	shalt  }
0x79: {  	_ =	shalt  }
0x7a: {  	_ =	shalt  }
0x7b: {  	_ =	shalt  }
0x7c: {  	_ =	shalt  }
0x7d: {  	_ =	shalt  }
0x7e: {  	_ =	shalt  }
0x7f: {  	_ =	shalt  }
0x80: {  	_ =	shalt  }
0x81: {  	_ =	shalt  }
0x82: {  	_ =	shalt  }
0x83: {  	_ =	shalt  }
0x84: {  	_ =	shalt  }
0x85: {  	_ =	shalt  }
0x86: {  	_ =	shalt  }
0x87: {  	_ =	shalt  }
.Lfunc_end0:
.L_simem_size_0:
called_computation.1_lowered:
.L_overlay_start_0:
0x88: {  	s2 =	sld [smem:$0x3FD9]  }
0x89: {  	s3 =	sld [smem:$0x3FFE];
	_ =	sdelay $0x1  }
0x8a: {  	s1 =	srdreg.scid  }
0x8b: {  	s0 =	sand.u32 $0x1, s1  }
0x8c: {  	s17 =	sshll.u32 s0, $0xA;
	s2 =	sadd.s32 s3, s2  }
0x8d: {  	s2 =	sadd.s32 s2, s17  }
0x8e: {  	[smem:$0x3FC1] =	sst s2  }
0x8f: {  	_ = 	snop  }
0x90: {  	s2 =	sld [smem:$0x3FD0];
	(tm) =	ssettm $0x1  }
0x91: {  	s18 =	sld [smem:$0x3FFB];
	_ =	sdelay $0x3  }
0x92: {  	_ =	strace s18  }
0x93: {  	s3 =	sld [smem:$0x3FFC];
	_ =	sdelay $0x3  }
0x94: {  	_ =	strace s3  }
0x95: {  	s3 =	sld [smem:$0x3FFD];
	_ =	sdelay $0x3  }
0x96: {  	_ =	strace s3  }
0x97: {  	_ =	strace $0x8FFFFFFF  }
0x98: {  	s19 =	sld [smem:$0x3FDB];
	_ =	sdelay $0x1  }
0x99: {  	s4 =	simm.s32 $_scs_section_size  }
0x9a: {  	s5 =	simm.s32 $_size__tile_overlayer_lowered;
	s6 =	simm.s32 $_tile_overlayer_lowered  }
0x9b: {  	s22 =	simm.s32 $0x1BFF;
	s21 =	sshll.u32 s6, $0x1;
	s3 =	sadd.s32 s4, s19  }
0x9c: {  	s7 =	simm.s32 $0x0;
	s20 =	sshll.u32 s5, $0x1;
	s5 =	sadd.s32 s21, s3  }
0x9d: {  	[timem:s7], [sflag:s22] =	dma.local [hbm:s5], s20  }
0x9e: {  	_ =	swait.ge [sflag:s22], s20  }
0x9f: {  	s4 =	ssub.s32 $0x0, s20;
	[sflag:s22] =	ssyncset.done $0x0  }
0xa0: {  	[sflag:s22] =	ssyncadd.s32 s4;
	_ =	sdelay $0x1  }
0xa1: {  	s23 =	simm.s32 $0x1B8B  }
0xa2: {  	_ =	swait.ge [sflag:s23], $0x1  }
0xa3: {  	[sflag:s23] =	ssyncset.done $0x0  }
0xa4: {  	s25 =	simm.s32 $0x1B8E;
	s24 =	sld [smem:$0x3FFE];
	[sflag:s23] =	ssyncadd.s32 $0xFFFFFFFF  }
0xa5: {  	s26 =	simm.s32 $execute0_lowered;
	[smem:$0x3FD2] =	sst s25  }
0xa6: {  	s5 =	sshll.u32 s26, $0x1;
	_ =	strace $0x80000049;
	[dreg:$0x1] =	wrdreg $0xFFFFFFFF  }
0xa7: {  	s28 =	simm.s32 $_size_execute0_lowered;
	s3 =	sadd.s32 s3, s5;
	[dreg:$0x0] =	wrdreg $0x0  }
0xa8: {  	s5 =	sshll.u32 s28, $0x1;
	[dreg:$0x2] =	wrdreg s3  }
0xa9: {  	[dreg:$0x3] =	wrdreg s5  }
0xaa: {  	[dreg:$0x4] =	wrdreg $0xC0  }
0xab: {  	_ =	task [dreg:s7], $0x5FFFF  }
0xac: {  	[dreg:$0x1] =	wrdreg $0xFFFFFFFF  }
0xad: {  	[dreg:$0x0] =	wrdreg $0x60  }
0xae: {  	[dreg:$0x2] =	wrdreg s24  }
0xaf: {  	[dreg:$0x3] =	wrdreg s2  }
0xb0: {  	[dreg:$0x4] =	wrdreg $0x9  }
0xb1: {  	_ =	task.clear_ibuf [dreg:s7], $0x5FFFF;
	_ =	strace $0x90000049  }
0xb2: {  	s29 =	simm.s32 $0x9;
	_ =	strace $0x8000004B  }
0xb3: {  	_ =	swait.ge [sflag:s29], $0x1  }
0xb4: {  	[sflag:s29] =	ssyncadd.s32 $0xFFFFFFFF  }
0xb5: {  	_ =	strace $0x9000004B  }
0xb6: {  	_ =	sfence  }
0xb7: {  	s30 =	sld [smem:$0x0];
	_ =	sdelay $0x2  }
0xb8: {  	s31 =	sshll.u32 s1, $0xD;
	s1 =	sshrl.u32 s1, $0x2  }
0xb9: {  	s3 =	sand.u32 $0x4000, s31;
	s1 =	sadd.s32 s1, s30  }
0xba: {  	s0 =	sor.u32 s3, s0;
	s1 =	sshll.u32 s1, $0x11  }
0xbb: {  	s0 =	sor.u32 s1, s0  }
0xbc: {  	s0 =	sadd.s32 $0x8F2B, s0  }
0xbd: {  	[sflag:s0] =	ssyncadd.remote.s32 $0x1  }
0xbe: {  	_ =	sfence.sel $0xFFFF  }
0xbf: {  	[dreg:$0x0] =	wrdreg $0xFFFFFFFF;
	(pc) =	sbr.abs _section_cstart, $3  }
0xc0: {  	[dreg:$0x1] =	wrdreg $0xFFFFFFFF  }
0xc1: {  	_ =	task.clear_ibuf [dreg:s7], $0x2FFFF;
	_ =	strace $0x9FFFFFFF  }
0xc2: {  	(tm) =	ssettm $0x7FFFFFFF  }
0xc3: {  	_ =	shalt  }
tec
execute0_lowered:
.L_overlay_start_1:
0x0: {  	(tag) =	ssettag $0x1  }
0x1: {  	s0 =	rddreg [dreg:$0x0]  }
0x2: {  	s1 =	rddreg [dreg:$0x1]  }
0x3: {  	s2 =	srdreg.scid;
	s4 =	stileid.u32;
	s18 =	simm.s32 $0x1  }
0x4: {  	s20 =	simm.s32 $0x880;
	s21 =	simm.s32 $0x1080;
	s22 =	simm.s32 $0x1880  }
0x5: {  	s23 =	simm.s32 $0x2080;
	s28 =	simm.s32 $0x4080;
	s29 =	simm.s32 $0x4880  }
0x6: {  	s30 =	simm.s32 $0x5080;
	s31 =	simm.s32 $0x5880;
	s11 =	simm.s32 $0x7880  }
0x7: {  	s12 =	simm.s32 $0x8080;
	s13 =	simm.s32 $0x8880;
	s14 =	simm.s32 $0x9080  }
0x8: {  	s15 =	simm.s32 $0x9880;
	s16 =	simm.s32 $0xA080;
	s17 =	simm.s32 $0xA880  }
0x9: {  	s3 =	sand.u32 $0x1, s2;
	s2 =	simm.s32 $0x0;
	s4 =	sshll.u32 s4, $0x8  }
0xa: {  	s8 =	sadd.s32 $0x2200, s0;
	s5 =	sshll.u32 s3, $0x7;
	[smem:$0x7FF] =	sst s2  }
0xb: {  	s24 =	ssub.s32 $0x2, s3;
	s3 =	sadd.s32 $0xC2200, s0;
	s5 =	sor.u32 s5, s4  }
0xc: {  	_ =	strace $0x8000004A;
	s7 =	sshrl.u32 s24, $0x1;
	s4 =	sadd.s32 $0xC2300, s0  }
0xd: {  	s6 =	sshrl.u32 s5, $0x3;
	s7 =	ssub.s32 s24, s7;
	s25 =	sshll.u32 s5, $0x7  }
0xe: {  	s9 =	sor.u32 $0x40, s5;
	s5 =	sadd.s32 $0xC2400, s0;
	s24 =	simm.s32 $0x2880  }
0xf: {  	s6 =	sadd.s32 s1, s6;
	s10 =	sshrl.u32 s9, $0x3;
	s9 =	sshll.u32 s9, $0x7  }
0x10: {  	s7 =	smax.u32 s7, $0x1;
	[dreg:$0x3] =	wrdreg s6;
	s6 =	sadd.s32 s8, s25  }
0x11: {  	s1 =	sadd.s32 s1, s10;
	s26 =	sadd.s32 s8, s9;
	s8 =	simm.s32 $0x2  }
0x12: {  	v2 =	vlaneseq.u32;
	s25 =	simm.s32 $0x3080;
	s10 =	simm.s32 $0x7080;
	[dreg:$0x4] =	wrdreg s6  }
0x13: {  	vm0 =	vmmov $0xffff;
	v1 =	vshrl.u32 v2, $0x3;
	s9 =	simm.s32 $0xB080;
	s6 =	sadd.s32 $0xC2500, s0;
	[dreg:$0x5] =	wrdreg s1  }
0x14: {  	v0 =	vand.u32 $0x7, v2;
	v2 =	vor.u32 $0x8, v2;
	v1 =	vmul.u32 $0x8, v1;
	[dreg:$0x6] =	wrdreg s26;
	s0 =	simm.s32 $0x80;
	s26 =	simm.s32 $0x3880  }
.LBB2_1:
0x15: {  	s19 =	rddreg [dreg:$0x3]  }
0x16: {  	[tilespmem:s2], [sflag:$0x2] =	stream.linear.gather [hbm4b:s19+s2], $0x40, $0x38;
	[tilespmem:$0x10080] =	vst v63  }
0x17: {  	_ =	swait.ge [sflag:s8], $0x40  }
0x18: {  	[sflag:s8] =	ssyncset.done $0x0  }
0x19: {  	[sflag:s8] =	ssyncadd.s32 $0xFFFFFFC0  }
0x1a: {  	v3 =	vld [tilespmem:$0x0];
	_ =	sdelay $0x4  }
0x1b: {  	v4 =	vshll.u32 v3, $0x3  }
0x1c: {  	v3 =	vand.u32 $0x7, v3;
	v4 =	vand.u32 $0xFFFFFFC0, v4  }
0x1d: {  	v3 =	vor.u32 v3, v4  }
0x1e: {  	v4 =	vperm.xlane v3, v0;
	_ =	sdelay $0x1  }
0x1f: {  	v4 =	vadd.s32 v1, v4;
	_ =	sdelay $0x4  }
0x20: {  	[tilespmem:s0], [sflag:$0x1] =	stream.indirect_vreg.gather [hbm4b:s3+s2], $0x80, v4, vm0, $0xb8;
	[tilespmem:$0x10080] =	vst v63  }
0x21: {  	v3 =	vperm.xlane v3, v2  }
0x22: {  	[tilespmem:s20], [sflag:$0x1] =	stream.indirect_vreg.gather [hbm4b:s4+s2], $0x80, v4, vm0, $0xb8;
	[tilespmem:$0x10080] =	vst v63  }
0x23: {  	v3 =	vadd.s32 v1, v3  }
0x24: {  	[tilespmem:s21], [sflag:$0x1] =	stream.indirect_vreg.gather [hbm4b:s5+s2], $0x80, v4, vm0, $0xb8;
	[tilespmem:$0x10080] =	vst v63  }
0x25: {  	_ = 	snop  }
0x26: {  	[tilespmem:s22], [sflag:$0x1] =	stream.indirect_vreg.gather [hbm4b:s6+s2], $0x80, v4, vm0, $0xb8;
	[tilespmem:$0x10080] =	vst v63  }
0x27: {  	_ = 	snop  }
0x28: {  	[tilespmem:s23], [sflag:$0x1] =	stream.indirect_vreg.gather [hbm4b:s3+s2], $0x80, v3, vm0, $0xb8;
	[tilespmem:$0x10080] =	vst v63  }
0x29: {  	_ = 	snop  }
0x2a: {  	[tilespmem:s24], [sflag:$0x1] =	stream.indirect_vreg.gather [hbm4b:s4+s2], $0x80, v3, vm0, $0xb8;
	[tilespmem:$0x10080] =	vst v63  }
0x2b: {  	_ = 	snop  }
0x2c: {  	[tilespmem:s25], [sflag:$0x1] =	stream.indirect_vreg.gather [hbm4b:s5+s2], $0x80, v3, vm0, $0xb8;
	[tilespmem:$0x10080] =	vst v63  }
0x2d: {  	_ = 	snop  }
0x2e: {  	[tilespmem:s26], [sflag:$0x1] =	stream.indirect_vreg.gather [hbm4b:s6+s2], $0x80, v3, vm0, $0xb8;
	[tilespmem:$0x10080] =	vst v63  }
0x2f: {  	v3 =	vld [tilespmem:$0x10];
	_ =	sdelay $0x4  }
0x30: {  	v57 =	vshll.u32 v3, $0x3  }
0x31: {  	v3 =	vand.u32 $0x7, v3;
	v4 =	vand.u32 $0xFFFFFFC0, v57  }
0x32: {  	v3 =	vor.u32 v3, v4  }
0x33: {  	v4 =	vperm.xlane v3, v0;
	_ =	sdelay $0x1  }
0x34: {  	v4 =	vadd.s32 v1, v4;
	_ =	sdelay $0x4  }
0x35: {  	[tilespmem:s28], [sflag:$0x1] =	stream.indirect_vreg.gather [hbm4b:s3+s2], $0x80, v4, vm0, $0xb8;
	[tilespmem:$0x10080] =	vst v63  }
0x36: {  	v3 =	vperm.xlane v3, v2  }
0x37: {  	[tilespmem:s29], [sflag:$0x1] =	stream.indirect_vreg.gather [hbm4b:s4+s2], $0x80, v4, vm0, $0xb8;
	[tilespmem:$0x10080] =	vst v63  }
0x38: {  	v3 =	vadd.s32 v1, v3  }
0x39: {  	[tilespmem:s30], [sflag:$0x1] =	stream.indirect_vreg.gather [hbm4b:s5+s2], $0x80, v4, vm0, $0xb8;
	[tilespmem:$0x10080] =	vst v63  }
0x3a: {  	_ = 	snop  }
0x3b: {  	[tilespmem:s31], [sflag:$0x1] =	stream.indirect_vreg.gather [hbm4b:s6+s2], $0x80, v4, vm0, $0xb8;
	[tilespmem:$0x10080] =	vst v63  }
0x3c: {  	s1 =	simm.s32 $0x6080  }
0x3d: {  	[tilespmem:s1], [sflag:$0x1] =	stream.indirect_vreg.gather [hbm4b:s3+s2], $0x80, v3, vm0, $0xb8;
	[tilespmem:$0x10080] =	vst v63  }
0x3e: {  	s1 =	simm.s32 $0x6880  }
0x3f: {  	[tilespmem:s1], [sflag:$0x1] =	stream.indirect_vreg.gather [hbm4b:s4+s2], $0x80, v3, vm0, $0xb8;
	[tilespmem:$0x10080] =	vst v63  }
0x40: {  	_ = 	snop  }
0x41: {  	[tilespmem:s10], [sflag:$0x1] =	stream.indirect_vreg.gather [hbm4b:s5+s2], $0x80, v3, vm0, $0xb8;
	[tilespmem:$0x10080] =	vst v63  }
0x42: {  	_ = 	snop  }
0x43: {  	[tilespmem:s11], [sflag:$0x1] =	stream.indirect_vreg.gather [hbm4b:s6+s2], $0x80, v3, vm0, $0xb8;
	[tilespmem:$0x10080] =	vst v63  }
0x44: {  	v3 =	vld [tilespmem:$0x20];
	_ =	sdelay $0x4  }
0x45: {  	v58 =	vshll.u32 v3, $0x3  }
0x46: {  	v3 =	vand.u32 $0x7, v3;
	v4 =	vand.u32 $0xFFFFFFC0, v58  }
0x47: {  	v3 =	vor.u32 v3, v4  }
0x48: {  	v4 =	vperm.xlane v3, v0;
	_ =	sdelay $0x1  }
0x49: {  	v4 =	vadd.s32 v1, v4;
	_ =	sdelay $0x4  }
0x4a: {  	[tilespmem:s12], [sflag:$0x1] =	stream.indirect_vreg.gather [hbm4b:s3+s2], $0x80, v4, vm0, $0xb8;
	[tilespmem:$0x10080] =	vst v63  }
0x4b: {  	v3 =	vperm.xlane v3, v2  }
0x4c: {  	[tilespmem:s13], [sflag:$0x1] =	stream.indirect_vreg.gather [hbm4b:s4+s2], $0x80, v4, vm0, $0xb8;
	[tilespmem:$0x10080] =	vst v63  }
0x4d: {  	v3 =	vadd.s32 v1, v3  }
0x4e: {  	[tilespmem:s14], [sflag:$0x1] =	stream.indirect_vreg.gather [hbm4b:s5+s2], $0x80, v4, vm0, $0xb8;
	[tilespmem:$0x10080] =	vst v63  }
0x4f: {  	_ = 	snop  }
0x50: {  	[tilespmem:s15], [sflag:$0x1] =	stream.indirect_vreg.gather [hbm4b:s6+s2], $0x80, v4, vm0, $0xb8;
	[tilespmem:$0x10080] =	vst v63  }
0x51: {  	_ = 	snop  }
0x52: {  	[tilespmem:s16], [sflag:$0x1] =	stream.indirect_vreg.gather [hbm4b:s3+s2], $0x80, v3, vm0, $0xb8;
	[tilespmem:$0x10080] =	vst v63  }
0x53: {  	_ = 	snop  }
0x54: {  	[tilespmem:s17], [sflag:$0x1] =	stream.indirect_vreg.gather [hbm4b:s4+s2], $0x80, v3, vm0, $0xb8;
	[tilespmem:$0x10080] =	vst v63  }
0x55: {  	_ = 	snop  }
0x56: {  	[tilespmem:s9], [sflag:$0x1] =	stream.indirect_vreg.gather [hbm4b:s5+s2], $0x80, v3, vm0, $0xb8;
	[tilespmem:$0x10080] =	vst v63  }
0x57: {  	s19 =	simm.s32 $0xB880  }
0x58: {  	[tilespmem:s19], [sflag:$0x1] =	stream.indirect_vreg.gather [hbm4b:s6+s2], $0x80, v3, vm0, $0xb8;
	[tilespmem:$0x10080] =	vst v63  }
0x59: {  	v3 =	vld [tilespmem:$0x30];
	_ =	sdelay $0x4  }
0x5a: {  	v59 =	vshll.u32 v3, $0x3  }
0x5b: {  	v3 =	vand.u32 $0x7, v3;
	v4 =	vand.u32 $0xFFFFFFC0, v59  }
0x5c: {  	v3 =	vor.u32 v3, v4  }
0x5d: {  	v4 =	vperm.xlane v3, v0;
	_ =	sdelay $0x1  }
0x5e: {  	v4 =	vadd.s32 v1, v4;
	_ =	sdelay $0x3  }
0x5f: {  	s19 =	simm.s32 $0xC080  }
0x60: {  	[tilespmem:s19], [sflag:$0x1] =	stream.indirect_vreg.gather [hbm4b:s3+s2], $0x80, v4, vm0, $0xb8;
	[tilespmem:$0x10080] =	vst v63  }
0x61: {  	v3 =	vperm.xlane v3, v2;
	s19 =	simm.s32 $0xC880  }
0x62: {  	[tilespmem:s19], [sflag:$0x1] =	stream.indirect_vreg.gather [hbm4b:s4+s2], $0x80, v4, vm0, $0xb8;
	[tilespmem:$0x10080] =	vst v63  }
0x63: {  	v3 =	vadd.s32 v1, v3;
	s19 =	simm.s32 $0xD080  }
0x64: {  	[tilespmem:s19], [sflag:$0x1] =	stream.indirect_vreg.gather [hbm4b:s5+s2], $0x80, v4, vm0, $0xb8;
	[tilespmem:$0x10080] =	vst v63  }
0x65: {  	s19 =	simm.s32 $0xD880  }
0x66: {  	[tilespmem:s19], [sflag:$0x1] =	stream.indirect_vreg.gather [hbm4b:s6+s2], $0x80, v4, vm0, $0xb8;
	[tilespmem:$0x10080] =	vst v63  }
0x67: {  	s19 =	simm.s32 $0xE080  }
0x68: {  	[tilespmem:s19], [sflag:$0x1] =	stream.indirect_vreg.gather [hbm4b:s3+s2], $0x80, v3, vm0, $0xb8;
	[tilespmem:$0x10080] =	vst v63  }
0x69: {  	s19 =	simm.s32 $0xE880  }
0x6a: {  	[tilespmem:s19], [sflag:$0x1] =	stream.indirect_vreg.gather [hbm4b:s4+s2], $0x80, v3, vm0, $0xb8;
	[tilespmem:$0x10080] =	vst v63  }
0x6b: {  	s19 =	simm.s32 $0xF080  }
0x6c: {  	[tilespmem:s19], [sflag:$0x1] =	stream.indirect_vreg.gather [hbm4b:s5+s2], $0x80, v3, vm0, $0xb8;
	[tilespmem:$0x10080] =	vst v63  }
0x6d: {  	s19 =	simm.s32 $0xF880  }
0x6e: {  	[tilespmem:s19], [sflag:$0x1] =	stream.indirect_vreg.gather [hbm4b:s6+s2], $0x80, v3, vm0, $0xb8;
	[tilespmem:$0x10080] =	vst v63  }
0x6f: {  	_ =	swait.ge [sflag:s18], $0x10000  }
0x70: {  	[sflag:s18] =	ssyncset.done $0x0  }
0x71: {  	s19 =	rddreg [dreg:$0x4];
	[sflag:s18] =	ssyncadd.s32 $0xFFFF0000  }
0x72: {  	[hbm4b:s19+s2] =	stream.linear.scatter [tilespmem:s0], [sflag:$0x2], $0x10000, $0x38;
	[tilespmem:$0x10080] =	vst v63  }
0x73: {  	_ =	swait.ge [sflag:s8], $0x10000  }
0x74: {  	[sflag:s8] =	ssyncset.done $0x0  }
0x75: {  	s19 =	rddreg [dreg:$0x5];
	[sflag:s8] =	ssyncadd.s32 $0xFFFF0000  }
0x76: {  	[tilespmem:s2], [sflag:$0x2] =	stream.linear.gather [hbm4b:s19+s2], $0x40, $0x38;
	[tilespmem:$0x10080] =	vst v63  }
0x77: {  	_ =	swait.ge [sflag:s8], $0x40  }
0x78: {  	[sflag:s8] =	ssyncset.done $0x0  }
0x79: {  	[sflag:s8] =	ssyncadd.s32 $0xFFFFFFC0  }
0x7a: {  	v3 =	vld [tilespmem:$0x0];
	_ =	sdelay $0x4  }
0x7b: {  	v60 =	vshll.u32 v3, $0x3  }
0x7c: {  	v3 =	vand.u32 $0x7, v3;
	v4 =	vand.u32 $0xFFFFFFC0, v60  }
0x7d: {  	v3 =	vor.u32 v3, v4  }
0x7e: {  	v4 =	vperm.xlane v3, v0;
	_ =	sdelay $0x1  }
0x7f: {  	v4 =	vadd.s32 v1, v4;
	_ =	sdelay $0x4  }
0x80: {  	[tilespmem:s0], [sflag:$0x1] =	stream.indirect_vreg.gather [hbm4b:s3+s2], $0x80, v4, vm0, $0xb8;
	[tilespmem:$0x10080] =	vst v63  }
0x81: {  	v3 =	vperm.xlane v3, v2  }
0x82: {  	[tilespmem:s20], [sflag:$0x1] =	stream.indirect_vreg.gather [hbm4b:s4+s2], $0x80, v4, vm0, $0xb8;
	[tilespmem:$0x10080] =	vst v63  }
0x83: {  	v3 =	vadd.s32 v1, v3  }
0x84: {  	[tilespmem:s21], [sflag:$0x1] =	stream.indirect_vreg.gather [hbm4b:s5+s2], $0x80, v4, vm0, $0xb8;
	[tilespmem:$0x10080] =	vst v63  }
0x85: {  	_ = 	snop  }
0x86: {  	[tilespmem:s22], [sflag:$0x1] =	stream.indirect_vreg.gather [hbm4b:s6+s2], $0x80, v4, vm0, $0xb8;
	[tilespmem:$0x10080] =	vst v63  }
0x87: {  	_ = 	snop  }
0x88: {  	[tilespmem:s23], [sflag:$0x1] =	stream.indirect_vreg.gather [hbm4b:s3+s2], $0x80, v3, vm0, $0xb8;
	[tilespmem:$0x10080] =	vst v63  }
0x89: {  	_ = 	snop  }
0x8a: {  	[tilespmem:s24], [sflag:$0x1] =	stream.indirect_vreg.gather [hbm4b:s4+s2], $0x80, v3, vm0, $0xb8;
	[tilespmem:$0x10080] =	vst v63  }
0x8b: {  	_ = 	snop  }
0x8c: {  	[tilespmem:s25], [sflag:$0x1] =	stream.indirect_vreg.gather [hbm4b:s5+s2], $0x80, v3, vm0, $0xb8;
	[tilespmem:$0x10080] =	vst v63  }
0x8d: {  	_ = 	snop  }
0x8e: {  	[tilespmem:s26], [sflag:$0x1] =	stream.indirect_vreg.gather [hbm4b:s6+s2], $0x80, v3, vm0, $0xb8;
	[tilespmem:$0x10080] =	vst v63  }
0x8f: {  	v3 =	vld [tilespmem:$0x10];
	_ =	sdelay $0x4  }
0x90: {  	v61 =	vshll.u32 v3, $0x3  }
0x91: {  	v3 =	vand.u32 $0x7, v3;
	v4 =	vand.u32 $0xFFFFFFC0, v61  }
0x92: {  	v3 =	vor.u32 v3, v4  }
0x93: {  	v4 =	vperm.xlane v3, v0;
	_ =	sdelay $0x1  }
0x94: {  	v4 =	vadd.s32 v1, v4;
	_ =	sdelay $0x4  }
0x95: {  	[tilespmem:s28], [sflag:$0x1] =	stream.indirect_vreg.gather [hbm4b:s3+s2], $0x80, v4, vm0, $0xb8;
	[tilespmem:$0x10080] =	vst v63  }
0x96: {  	v3 =	vperm.xlane v3, v2  }
0x97: {  	[tilespmem:s29], [sflag:$0x1] =	stream.indirect_vreg.gather [hbm4b:s4+s2], $0x80, v4, vm0, $0xb8;
	[tilespmem:$0x10080] =	vst v63  }
0x98: {  	v3 =	vadd.s32 v1, v3  }
0x99: {  	[tilespmem:s30], [sflag:$0x1] =	stream.indirect_vreg.gather [hbm4b:s5+s2], $0x80, v4, vm0, $0xb8;
	[tilespmem:$0x10080] =	vst v63  }
0x9a: {  	_ = 	snop  }
0x9b: {  	[tilespmem:s31], [sflag:$0x1] =	stream.indirect_vreg.gather [hbm4b:s6+s2], $0x80, v4, vm0, $0xb8;
	[tilespmem:$0x10080] =	vst v63  }
0x9c: {  	s19 =	simm.s32 $0x6080  }
0x9d: {  	[tilespmem:s19], [sflag:$0x1] =	stream.indirect_vreg.gather [hbm4b:s3+s2], $0x80, v3, vm0, $0xb8;
	[tilespmem:$0x10080] =	vst v63  }
0x9e: {  	_ = 	snop  }
0x9f: {  	[tilespmem:s1], [sflag:$0x1] =	stream.indirect_vreg.gather [hbm4b:s4+s2], $0x80, v3, vm0, $0xb8;
	[tilespmem:$0x10080] =	vst v63  }
0xa0: {  	_ = 	snop  }
0xa1: {  	[tilespmem:s10], [sflag:$0x1] =	stream.indirect_vreg.gather [hbm4b:s5+s2], $0x80, v3, vm0, $0xb8;
	[tilespmem:$0x10080] =	vst v63  }
0xa2: {  	_ = 	snop  }
0xa3: {  	[tilespmem:s11], [sflag:$0x1] =	stream.indirect_vreg.gather [hbm4b:s6+s2], $0x80, v3, vm0, $0xb8;
	[tilespmem:$0x10080] =	vst v63  }
0xa4: {  	v3 =	vld [tilespmem:$0x20];
	_ =	sdelay $0x4  }
0xa5: {  	v62 =	vshll.u32 v3, $0x3  }
0xa6: {  	v3 =	vand.u32 $0x7, v3;
	v4 =	vand.u32 $0xFFFFFFC0, v62  }
0xa7: {  	v3 =	vor.u32 v3, v4  }
0xa8: {  	v4 =	vperm.xlane v3, v0;
	_ =	sdelay $0x1  }
0xa9: {  	v4 =	vadd.s32 v1, v4;
	_ =	sdelay $0x4  }
0xaa: {  	[tilespmem:s12], [sflag:$0x1] =	stream.indirect_vreg.gather [hbm4b:s3+s2], $0x80, v4, vm0, $0xb8;
	[tilespmem:$0x10080] =	vst v63  }
0xab: {  	v3 =	vperm.xlane v3, v2  }
0xac: {  	[tilespmem:s13], [sflag:$0x1] =	stream.indirect_vreg.gather [hbm4b:s4+s2], $0x80, v4, vm0, $0xb8;
	[tilespmem:$0x10080] =	vst v63  }
0xad: {  	v3 =	vadd.s32 v1, v3  }
0xae: {  	[tilespmem:s14], [sflag:$0x1] =	stream.indirect_vreg.gather [hbm4b:s5+s2], $0x80, v4, vm0, $0xb8;
	[tilespmem:$0x10080] =	vst v63  }
0xaf: {  	_ = 	snop  }
0xb0: {  	[tilespmem:s15], [sflag:$0x1] =	stream.indirect_vreg.gather [hbm4b:s6+s2], $0x80, v4, vm0, $0xb8;
	[tilespmem:$0x10080] =	vst v63  }
0xb1: {  	_ = 	snop  }
0xb2: {  	[tilespmem:s16], [sflag:$0x1] =	stream.indirect_vreg.gather [hbm4b:s3+s2], $0x80, v3, vm0, $0xb8;
	[tilespmem:$0x10080] =	vst v63  }
0xb3: {  	_ = 	snop  }
0xb4: {  	[tilespmem:s17], [sflag:$0x1] =	stream.indirect_vreg.gather [hbm4b:s4+s2], $0x80, v3, vm0, $0xb8;
	[tilespmem:$0x10080] =	vst v63  }
0xb5: {  	_ = 	snop  }
0xb6: {  	[tilespmem:s9], [sflag:$0x1] =	stream.indirect_vreg.gather [hbm4b:s5+s2], $0x80, v3, vm0, $0xb8;
	[tilespmem:$0x10080] =	vst v63  }
0xb7: {  	s19 =	simm.s32 $0xB880  }
0xb8: {  	[tilespmem:s19], [sflag:$0x1] =	stream.indirect_vreg.gather [hbm4b:s6+s2], $0x80, v3, vm0, $0xb8;
	[tilespmem:$0x10080] =	vst v63  }
0xb9: {  	v3 =	vld [tilespmem:$0x30];
	_ =	sdelay $0x4  }
0xba: {  	v63 =	vshll.u32 v3, $0x3  }
0xbb: {  	v3 =	vand.u32 $0x7, v3;
	v4 =	vand.u32 $0xFFFFFFC0, v63  }
0xbc: {  	v3 =	vor.u32 v3, v4  }
0xbd: {  	v4 =	vperm.xlane v3, v0;
	_ =	sdelay $0x1  }
0xbe: {  	v4 =	vadd.s32 v1, v4;
	_ =	sdelay $0x3  }
0xbf: {  	s19 =	simm.s32 $0xC080  }
0xc0: {  	[tilespmem:s19], [sflag:$0x1] =	stream.indirect_vreg.gather [hbm4b:s3+s2], $0x80, v4, vm0, $0xb8;
	[tilespmem:$0x10080] =	vst v63  }
0xc1: {  	v3 =	vperm.xlane v3, v2;
	s19 =	simm.s32 $0xC880  }
0xc2: {  	[tilespmem:s19], [sflag:$0x1] =	stream.indirect_vreg.gather [hbm4b:s4+s2], $0x80, v4, vm0, $0xb8;
	[tilespmem:$0x10080] =	vst v63  }
0xc3: {  	v3 =	vadd.s32 v1, v3;
	s19 =	simm.s32 $0xD080  }
0xc4: {  	[tilespmem:s19], [sflag:$0x1] =	stream.indirect_vreg.gather [hbm4b:s5+s2], $0x80, v4, vm0, $0xb8;
	[tilespmem:$0x10080] =	vst v63  }
0xc5: {  	s19 =	simm.s32 $0xD880  }
0xc6: {  	[tilespmem:s19], [sflag:$0x1] =	stream.indirect_vreg.gather [hbm4b:s6+s2], $0x80, v4, vm0, $0xb8;
	[tilespmem:$0x10080] =	vst v63  }
0xc7: {  	s19 =	simm.s32 $0xE080  }
0xc8: {  	[tilespmem:s19], [sflag:$0x1] =	stream.indirect_vreg.gather [hbm4b:s3+s2], $0x80, v3, vm0, $0xb8;
	[tilespmem:$0x10080] =	vst v63  }
0xc9: {  	s19 =	simm.s32 $0xE880  }
0xca: {  	[tilespmem:s19], [sflag:$0x1] =	stream.indirect_vreg.gather [hbm4b:s4+s2], $0x80, v3, vm0, $0xb8;
	[tilespmem:$0x10080] =	vst v63  }
0xcb: {  	s19 =	simm.s32 $0xF080  }
0xcc: {  	[tilespmem:s19], [sflag:$0x1] =	stream.indirect_vreg.gather [hbm4b:s5+s2], $0x80, v3, vm0, $0xb8;
	[tilespmem:$0x10080] =	vst v63  }
0xcd: {  	s19 =	simm.s32 $0xF880  }
0xce: {  	[tilespmem:s19], [sflag:$0x1] =	stream.indirect_vreg.gather [hbm4b:s6+s2], $0x80, v3, vm0, $0xb8;
	[tilespmem:$0x10080] =	vst v63  }
0xcf: {  	_ =	swait.ge [sflag:s18], $0x10000  }
0xd0: {  	p0 =	sne.s32 s7, $0x1;
	[sflag:s18] =	ssyncset.done $0x0  }
.Ltmp0:
0xd1: {  	s1 =	rddreg [dreg:$0x6];
	[sflag:s18] =	ssyncadd.s32 $0xFFFF0000;
	(pc) =	sbr.rel @p0 .LBB2_1-.Ltmp0, $4  }
0xd2: {  	[hbm4b:s1+s2] =	stream.linear.scatter [tilespmem:s0], [sflag:$0x2], $0x10000, $0x38;
	[tilespmem:$0x10080] =	vst v63  }
0xd3: {  	_ =	swait.ge [sflag:s8], $0x10000  }
0xd4: {  	[sflag:s8] =	ssyncset.done $0x0  }
0xd5: {  	s7 =	sadd.s32 $0xFFFFFFFF, s7;
	[sflag:s8] =	ssyncadd.s32 $0xFFFF0000  }
0xd6: {  	_ =	sfence.sel $0x180000  }
0xd7: {  	[bflag:$0x0] =	sbarrier.arrive $0xFFFF  }
0xd8: {  	_ =	strace $0x9000004A  }
0xd9: {  	s0 =	stileid.u32;
	[bflag:$0x2] =	sbarrier.arrive $0xFFFF  }
0xda: {  	p0 =	sne.s32 s0, $0x0;
	s0 =	rddreg [dreg:$0x2]  }
0xdb: {  	s0 =	sadd.s32 @!p0 $0x100000, s0  }
0xdc: {  	[sflag:s0] =	ssyncadd.tile.s32 @!p0 $0x1;
	_ =	shalt  }
.Lfunc_end2:
_tile_overlayer_lowered:
.L_overlay_start_2:
0xdd: {  	(tag) =	ssettag $0x2  }
0xde: {  	s0 =	rddreg [dreg:$0x0];
	s2 =	stileid.u32  }
0xdf: {  	s1 =	rddreg [dreg:$0x1];
	p0 =	sne.s32 s2, $0x0  }
0xe0: {  	s3 =	rddreg [dreg:$0x2];
	[bflag:$0x3] =	sbarrier.arrive $0xFFFF;
	s2 =	simm.s32 @!p0 $0x1C02  }
0xe1: {  	[timem:s3], [sflag:s2] =	dma.local @!p0 [hbm:s0], s1  }
0xe2: {  	s0 =	simm.s32 @!p0 $0x2  }
0xe3: {  	_ =	swait.ge @!p0 [sflag:s0], s1  }
0xe4: {  	s1 =	ssub.s32 @!p0 $0x0, s1;
	[sflag:s0] =	ssyncset.done @!p0 $0x0  }
0xe5: {  	[sflag:s0] =	ssyncadd.s32 @!p0 s1  }
0xe6: {  	[bflag:$0x3] =	sbarrier.arrive $0xFFFF  }
0xe7: {  	_ =	shalt  }

// kernel: kernel.7.cloned.1.call-start
scs
__scs_entry_jumppad:
0x0: {  	(pc) =	sbr.rel $0x88, $3  }
0x1: {  	(tag) =	ssettag $0x0;
	lr =	simm.s32 $0x1  }
0x2: {  	[smem:$0x3F9A] =	sst lr;
	_ =	strace $0xD0000000  }
0x3: {  	_ = 	snop  }
0x4: {  	_ = 	snop  }
0x5: {  	_ = 	snop  }
0x6: {  	_ = 	snop  }
0x7: {  	_ = 	snop  }
__scs_overlays_trampoline_lowered:
0x8: {  	[smem:$0x3FA9] =	sst s0  }
0x9: {  	[smem:$0x3FAA] =	sst s1  }
0xa: {  	[smem:$0x3FAB] =	sst s2  }
0xb: {  	[smem:$0x3FAC] =	sst s3  }
0xc: {  	[smem:$0x3FAD] =	sst s4  }
0xd: {  	[smem:$0x3FAE] =	sst s5  }
0xe: {  	[smem:$0x3FAF] =	sst s6  }
0xf: {  	[smem:$0x3FB0] =	sst s7  }
0x10: {  	[smem:$0x3FB1] =	sst s8  }
0x11: {  	[smem:$0x3FB2] =	sst s9;
	s0 =	simm.s32 @!p0 $0x0  }
0x12: {  	s1 =	sld [smem:$0x3F98];
	s0 =	simm.s32 @p0 $0x1  }
0x13: {  	[smem:$0x3FB3] =	sst s0;
	s0 =	simm.s32 @!p1 $0x0  }
0x14: {  	s2 =	sld [smem:$0x3F97];
	s0 =	simm.s32 @p1 $0x1  }
0x15: {  	[smem:$0x3FB4] =	sst s0;
	s0 =	simm.s32 @!p2 $0x0  }
0x16: {  	s3 =	sld [smem:$0x3FDB];
	s0 =	simm.s32 @p2 $0x1  }
0x17: {  	s4 =	simm.s32 $0x1BF5;
	[smem:$0x3FB6] =	sst s0  }
0x18: {  	s0 =	sld [smem:$0x3F99];
	_ =	swait.ge [sflag:s4], $0x0  }
0x19: {  	s7 =	sld [smem:$0x3F9A]  }
0x1a: {  	s8 =	sadd.s32 $0xFFFFE003, lr  }
0x1b: {  	s9 =	sadd.s32 $0xFFFFFEF7, lr;
	s5 =	simm.s32 $0xFFFFFFFF;
	p2 =	slt.u32 s8, $0xFFFFF086  }
0x1c: {  	p1 =	slt.u32 s9, $0xF7A;
	s5 =	simm.s32 @!p2 $0x0  }
0x1d: {  	s5 =	simm.s32 @p1 $0x1;
	p0 =	seq.s32 s7, s2  }
0x1e: {  	s7 =	smul.u32 @!p0 $0xF7A, s2;
	p2 =	seq.s32 @!p0 s5, $0x0  }
0x1f: {  	s9 =	smul.u32 $0xF7A, s1;
	s8 =	simm.s32 @!p0 $0x1BF5;
	p2 =	por !p2, p0  }
0x20: {  	[sflag:s8] =	ssyncset.s32 @!p0 $0xFFFFF086;
	s6 =	sadd.s32 @!p0 s3, s7;
	s7 =	simm.s32 @!p0 $0x108  }
0x21: {  	s3 =	sadd.s32 s3, s9;
	s6 =	sadd.s32 @!p0 $0x88, s6;
	s7 =	simm.s32 @p2 $0x1082  }
0x22: {  	[simem:s7], [sflag:s8] =	dma.local @!p0 [hbm:s6], $0xF7A  }
0x23: {  	s9 =	sor.u32 $0xD0000000, s2;
	s6 =	simm.s32 $0x108;
	_ =	swait.ge @!p0 [sflag:s8], $0x0  }
0x24: {  	s3 =	sadd.s32 $0x88, s3;
	s6 =	simm.s32 @!p1 $0x1082;
	[sflag:s4] =	ssyncset.s32 $0xFFFFF086  }
0x25: {  	[simem:s6], [sflag:s4] =	dma.local [hbm:s3], $0xF7A  }
0x26: {  	[smem:$0x3F9A] =	sst s1;
	(tag) =	ssettag s2;
	_ =	strace s9  }
0x27: {  	s1 =	sld [smem:$0x3FAA]  }
0x28: {  	s2 =	sld [smem:$0x3FAB]  }
0x29: {  	s4 =	sld [smem:$0x3FAD]  }
0x2a: {  	p0 =	seq.s32 s5, $0x0;
	s5 =	sld [smem:$0x3FAE]  }
0x2b: {  	s6 =	sld [smem:$0x3FAF]  }
0x2c: {  	s7 =	sld [smem:$0x3FB0]  }
0x2d: {  	s3 =	simm.s32 $0x108;
	s8 =	sld [smem:$0x3FB1]  }
0x2e: {  	s3 =	simm.s32 @!p0 $0x1082;
	s9 =	sld [smem:$0x3FB2]  }
0x2f: {  	lr =	sadd.s32 s0, s3;
	s0 =	sld [smem:$0x3FA9]  }
0x30: {  	s3 =	sld [smem:$0x3FAC]  }
0x31: {  	[smem:$0x3FB5] =	sst s10  }
0x32: {  	s10 =	sld [smem:$0x3FB3];
	_ =	sdelay $0x3  }
0x33: {  	p0 =	seq.s32 s10, $0x1;
	s10 =	sld [smem:$0x3FB5];
	_ =	sdelay $0x3  }
0x34: {  	[smem:$0x3FB5] =	sst s10  }
0x35: {  	s10 =	sld [smem:$0x3FB4];
	_ =	sdelay $0x3  }
0x36: {  	p1 =	seq.s32 s10, $0x1;
	s10 =	sld [smem:$0x3FB5];
	_ =	sdelay $0x3  }
0x37: {  	[smem:$0x3FB5] =	sst s10  }
0x38: {  	s10 =	sld [smem:$0x3FB6]  }
0x39: {  	_ = 	snop;
	(pc) =	sbr.ind lr, $3  }
0x3a: {  	_ = 	snop  }
0x3b: {  	_ = 	snop  }
0x3c: {  	p2 =	seq.s32 s10, $0x1;
	s10 =	sld [smem:$0x3FB5]  }
0x3d: {  	_ =	shalt  }
0x3e: {  	_ =	shalt  }
0x3f: {  	_ =	shalt  }
0x40: {  	_ =	shalt  }
0x41: {  	_ =	shalt  }
0x42: {  	_ =	shalt  }
0x43: {  	_ =	shalt  }
0x44: {  	_ =	shalt  }
0x45: {  	_ =	shalt  }
0x46: {  	_ =	shalt  }
0x47: {  	_ =	shalt  }
0x48: {  	_ =	shalt  }
0x49: {  	_ =	shalt  }
0x4a: {  	_ =	shalt  }
0x4b: {  	_ =	shalt  }
0x4c: {  	_ =	shalt  }
0x4d: {  	_ =	shalt  }
0x4e: {  	_ =	shalt  }
0x4f: {  	_ =	shalt  }
0x50: {  	_ =	shalt  }
0x51: {  	_ =	shalt  }
0x52: {  	_ =	shalt  }
0x53: {  	_ =	shalt  }
0x54: {  	_ =	shalt  }
0x55: {  	_ =	shalt  }
0x56: {  	_ =	shalt  }
0x57: {  	_ =	shalt  }
0x58: {  	_ =	shalt  }
0x59: {  	_ =	shalt  }
0x5a: {  	_ =	shalt  }
0x5b: {  	_ =	shalt  }
0x5c: {  	_ =	shalt  }
0x5d: {  	_ =	shalt  }
0x5e: {  	_ =	shalt  }
0x5f: {  	_ =	shalt  }
0x60: {  	_ =	shalt  }
0x61: {  	_ =	shalt  }
0x62: {  	_ =	shalt  }
0x63: {  	_ =	shalt  }
0x64: {  	_ =	shalt  }
0x65: {  	_ =	shalt  }
0x66: {  	_ =	shalt  }
0x67: {  	_ =	shalt  }
0x68: {  	_ =	shalt  }
0x69: {  	_ =	shalt  }
0x6a: {  	_ =	shalt  }
0x6b: {  	_ =	shalt  }
0x6c: {  	_ =	shalt  }
0x6d: {  	_ =	shalt  }
0x6e: {  	_ =	shalt  }
0x6f: {  	_ =	shalt  }
0x70: {  	_ =	shalt  }
0x71: {  	_ =	shalt  }
0x72: {  	_ =	shalt  }
0x73: {  	_ =	shalt  }
0x74: {  	_ =	shalt  }
0x75: {  	_ =	shalt  }
0x76: {  	_ =	shalt  }
0x77: {  	_ =	shalt  }
0x78: {  	_ =	shalt  }
0x79: {  	_ =	shalt  }
0x7a: {  	_ =	shalt  }
0x7b: {  	_ =	shalt  }
0x7c: {  	_ =	shalt  }
0x7d: {  	_ =	shalt  }
0x7e: {  	_ =	shalt  }
0x7f: {  	_ =	shalt  }
0x80: {  	_ =	shalt  }
0x81: {  	_ =	shalt  }
0x82: {  	_ =	shalt  }
0x83: {  	_ =	shalt  }
0x84: {  	_ =	shalt  }
0x85: {  	_ =	shalt  }
0x86: {  	_ =	shalt  }
0x87: {  	_ =	shalt  }
.Lfunc_end0:
.L_simem_size_0:
called_computation_lowered:
.L_overlay_start_0:
0x88: {  	s2 =	sld [smem:$0x3FD9]  }
0x89: {  	s3 =	sld [smem:$0x3FFE];
	_ =	sdelay $0x1  }
0x8a: {  	s1 =	srdreg.scid  }
0x8b: {  	s0 =	sand.u32 $0x1, s1  }
0x8c: {  	s17 =	sshll.u32 s0, $0xA;
	s2 =	sadd.s32 s3, s2  }
0x8d: {  	s2 =	sadd.s32 s2, s17  }
0x8e: {  	[smem:$0x3FC1] =	sst s2  }
0x8f: {  	_ = 	snop  }
0x90: {  	s2 =	sld [smem:$0x3FC9]  }
0x91: {  	s18 =	sld [smem:$0x3FD0];
	(tm) =	ssettm $0x1  }
0x92: {  	s4 =	sld [smem:$0x3FFB];
	_ =	sdelay $0x3  }
0x93: {  	_ =	strace s4  }
0x94: {  	s4 =	sld [smem:$0x3FFC];
	_ =	sdelay $0x3  }
0x95: {  	_ =	strace s4  }
0x96: {  	s4 =	sld [smem:$0x3FFD];
	_ =	sdelay $0x3  }
0x97: {  	_ =	strace s4  }
0x98: {  	_ =	strace $0x8FFFFFFF  }
0x99: {  	s19 =	sld [smem:$0x3FDB];
	_ =	sdelay $0x1  }
0x9a: {  	s5 =	simm.s32 $_scs_section_size  }
0x9b: {  	s6 =	simm.s32 $_size__tile_overlayer_lowered;
	s7 =	simm.s32 $_tile_overlayer_lowered  }
0x9c: {  	s22 =	simm.s32 $0x1BFF;
	s21 =	sshll.u32 s7, $0x1;
	s4 =	sadd.s32 s5, s19  }
0x9d: {  	s8 =	simm.s32 $0x0;
	s20 =	sshll.u32 s6, $0x1;
	s6 =	sadd.s32 s21, s4  }
0x9e: {  	[timem:s8], [sflag:s22] =	dma.local [hbm:s6], s20  }
0x9f: {  	_ =	swait.ge [sflag:s22], s20  }
0xa0: {  	s5 =	ssub.s32 $0x0, s20;
	[sflag:s22] =	ssyncset.done $0x0  }
0xa1: {  	[sflag:s22] =	ssyncadd.s32 s5;
	_ =	sdelay $0x1  }
0xa2: {  	s23 =	simm.s32 $0x1B8B  }
0xa3: {  	_ =	swait.ge [sflag:s23], $0x1  }
0xa4: {  	[sflag:s23] =	ssyncset.done $0x0  }
0xa5: {  	s25 =	simm.s32 $0x1B8E;
	s24 =	sld [smem:$0x3FFE];
	[sflag:s23] =	ssyncadd.s32 $0xFFFFFFFF  }
0xa6: {  	s26 =	simm.s32 $execute0_lowered;
	[smem:$0x3FD2] =	sst s25  }
0xa7: {  	s6 =	sshll.u32 s26, $0x1;
	_ =	strace $0x80000046;
	[dreg:$0x1] =	wrdreg $0xFFFFFFFF  }
0xa8: {  	s28 =	simm.s32 $_size_execute0_lowered;
	s4 =	sadd.s32 s4, s6;
	[dreg:$0x0] =	wrdreg $0x0  }
0xa9: {  	s6 =	sshll.u32 s28, $0x1;
	[dreg:$0x2] =	wrdreg s4  }
0xaa: {  	[dreg:$0x3] =	wrdreg s6  }
0xab: {  	[dreg:$0x4] =	wrdreg $0xC0  }
0xac: {  	_ =	task [dreg:s8], $0x5FFFF  }
0xad: {  	[dreg:$0x1] =	wrdreg $0xFFFFFFFF  }
0xae: {  	[dreg:$0x0] =	wrdreg $0x60  }
0xaf: {  	[dreg:$0x2] =	wrdreg s2  }
0xb0: {  	[dreg:$0x3] =	wrdreg s18  }
0xb1: {  	[dreg:$0x4] =	wrdreg s24  }
0xb2: {  	[dreg:$0x5] =	wrdreg $0x9  }
0xb3: {  	_ =	task.clear_ibuf [dreg:s8], $0x6FFFF;
	_ =	strace $0x90000046  }
0xb4: {  	s29 =	simm.s32 $0x9;
	_ =	strace $0x80000048  }
0xb5: {  	_ =	swait.ge [sflag:s29], $0x1  }
0xb6: {  	[sflag:s29] =	ssyncadd.s32 $0xFFFFFFFF  }
0xb7: {  	_ =	strace $0x90000048  }
0xb8: {  	_ =	sfence  }
0xb9: {  	s30 =	sld [smem:$0x0];
	_ =	sdelay $0x2  }
0xba: {  	s31 =	sshll.u32 s1, $0xD;
	s1 =	sshrl.u32 s1, $0x2  }
0xbb: {  	s3 =	sand.u32 $0x4000, s31;
	s1 =	sadd.s32 s1, s30  }
0xbc: {  	s0 =	sor.u32 s3, s0;
	s1 =	sshll.u32 s1, $0x11  }
0xbd: {  	s0 =	sor.u32 s1, s0  }
0xbe: {  	s0 =	sadd.s32 $0x8F2B, s0  }
0xbf: {  	[sflag:s0] =	ssyncadd.remote.s32 $0x1  }
0xc0: {  	_ =	sfence.sel $0xFFFF  }
0xc1: {  	[dreg:$0x0] =	wrdreg $0xFFFFFFFF;
	(pc) =	sbr.abs _section_cstart, $3  }
0xc2: {  	[dreg:$0x1] =	wrdreg $0xFFFFFFFF  }
0xc3: {  	_ =	task.clear_ibuf [dreg:s8], $0x2FFFF;
	_ =	strace $0x9FFFFFFF  }
0xc4: {  	(tm) =	ssettm $0x7FFFFFFF  }
0xc5: {  	_ =	shalt  }
tec
execute0_lowered:
.L_overlay_start_1:
0x0: {  	(tag) =	ssettag $0x1  }
0x1: {  	s0 =	rddreg [dreg:$0x0]  }
0x2: {  	s1 =	rddreg [dreg:$0x1]  }
0x3: {  	s6 =	rddreg [dreg:$0x2]  }
0x4: {  	s3 =	srdreg.scid;
	s2 =	simm.s32 $0x0;
	s5 =	stileid.u32  }
0x5: {  	s18 =	simm.s32 $0x1;
	s28 =	simm.s32 $0x4080;
	s29 =	simm.s32 $0x4880  }
0x6: {  	s30 =	simm.s32 $0x5080;
	s31 =	simm.s32 $0x5880;
	s10 =	simm.s32 $0x7080  }
0x7: {  	s11 =	simm.s32 $0x7880;
	s12 =	simm.s32 $0x8080;
	s13 =	simm.s32 $0x8880  }
0x8: {  	s14 =	simm.s32 $0x9080;
	s15 =	simm.s32 $0x9880;
	s16 =	simm.s32 $0xA080  }
0x9: {  	s17 =	simm.s32 $0xA880;
	s4 =	sand.u32 $0x1, s3;
	[smem:$0x7FF] =	sst s2  }
0xa: {  	s20 =	sshll.u32 s5, $0x8;
	s3 =	sadd.s32 $0x2200, s6;
	s21 =	sshll.u32 s4, $0x7  }
0xb: {  	_ =	strace $0x80000047;
	s4 =	ssub.s32 $0x2, s4;
	s5 =	sor.u32 s21, s20  }
0xc: {  	s9 =	sshrl.u32 s4, $0x1;
	s20 =	simm.s32 $0x880;
	s21 =	simm.s32 $0x1080  }
0xd: {  	s7 =	sshrl.u32 s5, $0x3;
	s8 =	sshll.u32 s5, $0x7;
	s23 =	ssub.s32 s4, s9  }
0xe: {  	s5 =	sor.u32 $0x40, s5;
	s4 =	sadd.s32 $0x2300, s6;
	s9 =	simm.s32 $0xB080  }
0xf: {  	s7 =	sadd.s32 s1, s7;
	s8 =	sand.u32 $0x3C000, s8;
	s24 =	sshrl.u32 s5, $0x3  }
0x10: {  	s25 =	sshll.u32 s5, $0x7;
	s5 =	sadd.s32 $0x2400, s6;
	s6 =	sadd.s32 $0x2500, s6  }
0x11: {  	[dreg:$0x4] =	wrdreg s7;
	s22 =	sadd.s32 s0, s8;
	s1 =	sadd.s32 s1, s24  }
0x12: {  	s26 =	sand.u32 $0x3E000, s25;
	s7 =	smax.u32 s23, $0x1;
	s8 =	simm.s32 $0x2  }
0x13: {  	v2 =	vlaneseq.u32;
	s23 =	simm.s32 $0x2080;
	s24 =	simm.s32 $0x2880;
	[dreg:$0x5] =	wrdreg s22  }
0x14: {  	vm0 =	vmmov $0xffff;
	v1 =	vshrl.u32 v2, $0x3;
	s25 =	simm.s32 $0x3080;
	[dreg:$0x6] =	wrdreg s1;
	s0 =	sadd.s32 s0, s26  }
0x15: {  	v0 =	vand.u32 $0x7, v2;
	v2 =	vor.u32 $0x8, v2;
	v1 =	vmul.u32 $0x8, v1;
	s22 =	simm.s32 $0x1880;
	s26 =	simm.s32 $0x3880;
	[dreg:$0x7] =	wrdreg s0  }
.LBB2_1:
0x16: {  	s19 =	rddreg [dreg:$0x4]  }
0x17: {  	[tilespmem:s2], [sflag:$0x2] =	stream.linear.gather [hbm4b:s19+s2], $0x40, $0x38;
	[tilespmem:$0x10080] =	vst v63  }
0x18: {  	_ =	swait.ge [sflag:s8], $0x40  }
0x19: {  	[sflag:s8] =	ssyncset.done $0x0  }
0x1a: {  	s0 =	simm.s32 $0x80;
	s1 =	rddreg [dreg:$0x5];
	[sflag:s8] =	ssyncadd.s32 $0xFFFFFFC0  }
0x1b: {  	[tilespmem:s0], [sflag:$0x2] =	stream.linear.gather [hbm4b:s1+s2], $0x10000, $0x38;
	[tilespmem:$0x10080] =	vst v63  }
0x1c: {  	_ =	swait.ge [sflag:s8], $0x10000  }
0x1d: {  	[sflag:s8] =	ssyncset.done $0x0  }
0x1e: {  	[sflag:s8] =	ssyncadd.s32 $0xFFFF0000  }
0x1f: {  	v3 =	vld [tilespmem:$0x0];
	_ =	sdelay $0x4  }
0x20: {  	v4 =	vshll.u32 v3, $0x3  }
0x21: {  	v3 =	vand.u32 $0x7, v3;
	v4 =	vand.u32 $0xFFFFFFC0, v4  }
0x22: {  	v3 =	vor.u32 v3, v4  }
0x23: {  	v4 =	vperm.xlane v3, v0;
	_ =	sdelay $0x1  }
0x24: {  	v4 =	vadd.s32 v1, v4;
	_ =	sdelay $0x4  }
0x25: {  	[hbm4b:s3+s2] =	stream.indirect_vreg.scatter [tilespmem:s0], [sflag:$0x1], $0x80, v4, vm0, $0xb8;
	[tilespmem:$0x10080] =	vst v63  }
0x26: {  	v3 =	vperm.xlane v3, v2  }
0x27: {  	[hbm4b:s4+s2] =	stream.indirect_vreg.scatter [tilespmem:s20], [sflag:$0x1], $0x80, v4, vm0, $0xb8;
	[tilespmem:$0x10080] =	vst v63  }
0x28: {  	v3 =	vadd.s32 v1, v3  }
0x29: {  	[hbm4b:s5+s2] =	stream.indirect_vreg.scatter [tilespmem:s21], [sflag:$0x1], $0x80, v4, vm0, $0xb8;
	[tilespmem:$0x10080] =	vst v63  }
0x2a: {  	_ = 	snop  }
0x2b: {  	[hbm4b:s6+s2] =	stream.indirect_vreg.scatter [tilespmem:s22], [sflag:$0x1], $0x80, v4, vm0, $0xb8;
	[tilespmem:$0x10080] =	vst v63  }
0x2c: {  	_ = 	snop  }
0x2d: {  	[hbm4b:s3+s2] =	stream.indirect_vreg.scatter [tilespmem:s23], [sflag:$0x1], $0x80, v3, vm0, $0xb8;
	[tilespmem:$0x10080] =	vst v63  }
0x2e: {  	_ = 	snop  }
0x2f: {  	[hbm4b:s4+s2] =	stream.indirect_vreg.scatter [tilespmem:s24], [sflag:$0x1], $0x80, v3, vm0, $0xb8;
	[tilespmem:$0x10080] =	vst v63  }
0x30: {  	_ = 	snop  }
0x31: {  	[hbm4b:s5+s2] =	stream.indirect_vreg.scatter [tilespmem:s25], [sflag:$0x1], $0x80, v3, vm0, $0xb8;
	[tilespmem:$0x10080] =	vst v63  }
0x32: {  	_ = 	snop  }
0x33: {  	[hbm4b:s6+s2] =	stream.indirect_vreg.scatter [tilespmem:s26], [sflag:$0x1], $0x80, v3, vm0, $0xb8;
	[tilespmem:$0x10080] =	vst v63  }
0x34: {  	v3 =	vld [tilespmem:$0x10];
	_ =	sdelay $0x4  }
0x35: {  	v57 =	vshll.u32 v3, $0x3  }
0x36: {  	v3 =	vand.u32 $0x7, v3;
	v4 =	vand.u32 $0xFFFFFFC0, v57  }
0x37: {  	v3 =	vor.u32 v3, v4  }
0x38: {  	v4 =	vperm.xlane v3, v0;
	_ =	sdelay $0x1  }
0x39: {  	v4 =	vadd.s32 v1, v4;
	_ =	sdelay $0x4  }
0x3a: {  	[hbm4b:s3+s2] =	stream.indirect_vreg.scatter [tilespmem:s28], [sflag:$0x1], $0x80, v4, vm0, $0xb8;
	[tilespmem:$0x10080] =	vst v63  }
0x3b: {  	v3 =	vperm.xlane v3, v2  }
0x3c: {  	[hbm4b:s4+s2] =	stream.indirect_vreg.scatter [tilespmem:s29], [sflag:$0x1], $0x80, v4, vm0, $0xb8;
	[tilespmem:$0x10080] =	vst v63  }
0x3d: {  	v3 =	vadd.s32 v1, v3  }
0x3e: {  	[hbm4b:s5+s2] =	stream.indirect_vreg.scatter [tilespmem:s30], [sflag:$0x1], $0x80, v4, vm0, $0xb8;
	[tilespmem:$0x10080] =	vst v63  }
0x3f: {  	_ = 	snop  }
0x40: {  	[hbm4b:s6+s2] =	stream.indirect_vreg.scatter [tilespmem:s31], [sflag:$0x1], $0x80, v4, vm0, $0xb8;
	[tilespmem:$0x10080] =	vst v63  }
0x41: {  	s1 =	simm.s32 $0x6080  }
0x42: {  	[hbm4b:s3+s2] =	stream.indirect_vreg.scatter [tilespmem:s1], [sflag:$0x1], $0x80, v3, vm0, $0xb8;
	[tilespmem:$0x10080] =	vst v63  }
0x43: {  	s1 =	simm.s32 $0x6880  }
0x44: {  	[hbm4b:s4+s2] =	stream.indirect_vreg.scatter [tilespmem:s1], [sflag:$0x1], $0x80, v3, vm0, $0xb8;
	[tilespmem:$0x10080] =	vst v63  }
0x45: {  	_ = 	snop  }
0x46: {  	[hbm4b:s5+s2] =	stream.indirect_vreg.scatter [tilespmem:s10], [sflag:$0x1], $0x80, v3, vm0, $0xb8;
	[tilespmem:$0x10080] =	vst v63  }
0x47: {  	_ = 	snop  }
0x48: {  	[hbm4b:s6+s2] =	stream.indirect_vreg.scatter [tilespmem:s11], [sflag:$0x1], $0x80, v3, vm0, $0xb8;
	[tilespmem:$0x10080] =	vst v63  }
0x49: {  	v3 =	vld [tilespmem:$0x20];
	_ =	sdelay $0x4  }
0x4a: {  	v58 =	vshll.u32 v3, $0x3  }
0x4b: {  	v3 =	vand.u32 $0x7, v3;
	v4 =	vand.u32 $0xFFFFFFC0, v58  }
0x4c: {  	v3 =	vor.u32 v3, v4  }
0x4d: {  	v4 =	vperm.xlane v3, v0;
	_ =	sdelay $0x1  }
0x4e: {  	v4 =	vadd.s32 v1, v4;
	_ =	sdelay $0x4  }
0x4f: {  	[hbm4b:s3+s2] =	stream.indirect_vreg.scatter [tilespmem:s12], [sflag:$0x1], $0x80, v4, vm0, $0xb8;
	[tilespmem:$0x10080] =	vst v63  }
0x50: {  	v3 =	vperm.xlane v3, v2  }
0x51: {  	[hbm4b:s4+s2] =	stream.indirect_vreg.scatter [tilespmem:s13], [sflag:$0x1], $0x80, v4, vm0, $0xb8;
	[tilespmem:$0x10080] =	vst v63  }
0x52: {  	v3 =	vadd.s32 v1, v3  }
0x53: {  	[hbm4b:s5+s2] =	stream.indirect_vreg.scatter [tilespmem:s14], [sflag:$0x1], $0x80, v4, vm0, $0xb8;
	[tilespmem:$0x10080] =	vst v63  }
0x54: {  	_ = 	snop  }
0x55: {  	[hbm4b:s6+s2] =	stream.indirect_vreg.scatter [tilespmem:s15], [sflag:$0x1], $0x80, v4, vm0, $0xb8;
	[tilespmem:$0x10080] =	vst v63  }
0x56: {  	_ = 	snop  }
0x57: {  	[hbm4b:s3+s2] =	stream.indirect_vreg.scatter [tilespmem:s16], [sflag:$0x1], $0x80, v3, vm0, $0xb8;
	[tilespmem:$0x10080] =	vst v63  }
0x58: {  	_ = 	snop  }
0x59: {  	[hbm4b:s4+s2] =	stream.indirect_vreg.scatter [tilespmem:s17], [sflag:$0x1], $0x80, v3, vm0, $0xb8;
	[tilespmem:$0x10080] =	vst v63  }
0x5a: {  	_ = 	snop  }
0x5b: {  	[hbm4b:s5+s2] =	stream.indirect_vreg.scatter [tilespmem:s9], [sflag:$0x1], $0x80, v3, vm0, $0xb8;
	[tilespmem:$0x10080] =	vst v63  }
0x5c: {  	s19 =	simm.s32 $0xB880  }
0x5d: {  	[hbm4b:s6+s2] =	stream.indirect_vreg.scatter [tilespmem:s19], [sflag:$0x1], $0x80, v3, vm0, $0xb8;
	[tilespmem:$0x10080] =	vst v63  }
0x5e: {  	v3 =	vld [tilespmem:$0x30];
	_ =	sdelay $0x4  }
0x5f: {  	v59 =	vshll.u32 v3, $0x3  }
0x60: {  	v3 =	vand.u32 $0x7, v3;
	v4 =	vand.u32 $0xFFFFFFC0, v59  }
0x61: {  	v3 =	vor.u32 v3, v4  }
0x62: {  	v4 =	vperm.xlane v3, v0;
	_ =	sdelay $0x1  }
0x63: {  	v4 =	vadd.s32 v1, v4;
	_ =	sdelay $0x3  }
0x64: {  	s19 =	simm.s32 $0xC080  }
0x65: {  	[hbm4b:s3+s2] =	stream.indirect_vreg.scatter [tilespmem:s19], [sflag:$0x1], $0x80, v4, vm0, $0xb8;
	[tilespmem:$0x10080] =	vst v63  }
0x66: {  	v3 =	vperm.xlane v3, v2;
	s19 =	simm.s32 $0xC880  }
0x67: {  	[hbm4b:s4+s2] =	stream.indirect_vreg.scatter [tilespmem:s19], [sflag:$0x1], $0x80, v4, vm0, $0xb8;
	[tilespmem:$0x10080] =	vst v63  }
0x68: {  	v3 =	vadd.s32 v1, v3;
	s19 =	simm.s32 $0xD080  }
0x69: {  	[hbm4b:s5+s2] =	stream.indirect_vreg.scatter [tilespmem:s19], [sflag:$0x1], $0x80, v4, vm0, $0xb8;
	[tilespmem:$0x10080] =	vst v63  }
0x6a: {  	s19 =	simm.s32 $0xD880  }
0x6b: {  	[hbm4b:s6+s2] =	stream.indirect_vreg.scatter [tilespmem:s19], [sflag:$0x1], $0x80, v4, vm0, $0xb8;
	[tilespmem:$0x10080] =	vst v63  }
0x6c: {  	s19 =	simm.s32 $0xE080  }
0x6d: {  	[hbm4b:s3+s2] =	stream.indirect_vreg.scatter [tilespmem:s19], [sflag:$0x1], $0x80, v3, vm0, $0xb8;
	[tilespmem:$0x10080] =	vst v63  }
0x6e: {  	s19 =	simm.s32 $0xE880  }
0x6f: {  	[hbm4b:s4+s2] =	stream.indirect_vreg.scatter [tilespmem:s19], [sflag:$0x1], $0x80, v3, vm0, $0xb8;
	[tilespmem:$0x10080] =	vst v63  }
0x70: {  	s19 =	simm.s32 $0xF080  }
0x71: {  	[hbm4b:s5+s2] =	stream.indirect_vreg.scatter [tilespmem:s19], [sflag:$0x1], $0x80, v3, vm0, $0xb8;
	[tilespmem:$0x10080] =	vst v63  }
0x72: {  	s19 =	simm.s32 $0xF880  }
0x73: {  	[hbm4b:s6+s2] =	stream.indirect_vreg.scatter [tilespmem:s19], [sflag:$0x1], $0x80, v3, vm0, $0xb8;
	[tilespmem:$0x10080] =	vst v63  }
0x74: {  	_ =	swait.ge [sflag:s18], $0x10000  }
0x75: {  	[sflag:s18] =	ssyncset.done $0x0  }
0x76: {  	s19 =	rddreg [dreg:$0x6];
	[sflag:s18] =	ssyncadd.s32 $0xFFFF0000  }
0x77: {  	[tilespmem:s2], [sflag:$0x2] =	stream.linear.gather [hbm4b:s19+s2], $0x40, $0x38;
	[tilespmem:$0x10080] =	vst v63  }
0x78: {  	_ =	swait.ge [sflag:s8], $0x40  }
0x79: {  	[sflag:s8] =	ssyncset.done $0x0  }
0x7a: {  	s19 =	rddreg [dreg:$0x7];
	[sflag:s8] =	ssyncadd.s32 $0xFFFFFFC0  }
0x7b: {  	[tilespmem:s0], [sflag:$0x2] =	stream.linear.gather [hbm4b:s19+s2], $0x10000, $0x38;
	[tilespmem:$0x10080] =	vst v63  }
0x7c: {  	_ =	swait.ge [sflag:s8], $0x10000  }
0x7d: {  	[sflag:s8] =	ssyncset.done $0x0  }
0x7e: {  	[sflag:s8] =	ssyncadd.s32 $0xFFFF0000  }
0x7f: {  	v3 =	vld [tilespmem:$0x0];
	_ =	sdelay $0x4  }
0x80: {  	v60 =	vshll.u32 v3, $0x3  }
0x81: {  	v3 =	vand.u32 $0x7, v3;
	v4 =	vand.u32 $0xFFFFFFC0, v60  }
0x82: {  	v3 =	vor.u32 v3, v4  }
0x83: {  	v4 =	vperm.xlane v3, v0;
	_ =	sdelay $0x1  }
0x84: {  	v4 =	vadd.s32 v1, v4;
	_ =	sdelay $0x4  }
0x85: {  	[hbm4b:s3+s2] =	stream.indirect_vreg.scatter [tilespmem:s0], [sflag:$0x1], $0x80, v4, vm0, $0xb8;
	[tilespmem:$0x10080] =	vst v63  }
0x86: {  	v3 =	vperm.xlane v3, v2  }
0x87: {  	[hbm4b:s4+s2] =	stream.indirect_vreg.scatter [tilespmem:s20], [sflag:$0x1], $0x80, v4, vm0, $0xb8;
	[tilespmem:$0x10080] =	vst v63  }
0x88: {  	v3 =	vadd.s32 v1, v3  }
0x89: {  	[hbm4b:s5+s2] =	stream.indirect_vreg.scatter [tilespmem:s21], [sflag:$0x1], $0x80, v4, vm0, $0xb8;
	[tilespmem:$0x10080] =	vst v63  }
0x8a: {  	_ = 	snop  }
0x8b: {  	[hbm4b:s6+s2] =	stream.indirect_vreg.scatter [tilespmem:s22], [sflag:$0x1], $0x80, v4, vm0, $0xb8;
	[tilespmem:$0x10080] =	vst v63  }
0x8c: {  	_ = 	snop  }
0x8d: {  	[hbm4b:s3+s2] =	stream.indirect_vreg.scatter [tilespmem:s23], [sflag:$0x1], $0x80, v3, vm0, $0xb8;
	[tilespmem:$0x10080] =	vst v63  }
0x8e: {  	_ = 	snop  }
0x8f: {  	[hbm4b:s4+s2] =	stream.indirect_vreg.scatter [tilespmem:s24], [sflag:$0x1], $0x80, v3, vm0, $0xb8;
	[tilespmem:$0x10080] =	vst v63  }
0x90: {  	_ = 	snop  }
0x91: {  	[hbm4b:s5+s2] =	stream.indirect_vreg.scatter [tilespmem:s25], [sflag:$0x1], $0x80, v3, vm0, $0xb8;
	[tilespmem:$0x10080] =	vst v63  }
0x92: {  	_ = 	snop  }
0x93: {  	[hbm4b:s6+s2] =	stream.indirect_vreg.scatter [tilespmem:s26], [sflag:$0x1], $0x80, v3, vm0, $0xb8;
	[tilespmem:$0x10080] =	vst v63  }
0x94: {  	v3 =	vld [tilespmem:$0x10];
	_ =	sdelay $0x4  }
0x95: {  	v61 =	vshll.u32 v3, $0x3  }
0x96: {  	v3 =	vand.u32 $0x7, v3;
	v4 =	vand.u32 $0xFFFFFFC0, v61  }
0x97: {  	v3 =	vor.u32 v3, v4  }
0x98: {  	v4 =	vperm.xlane v3, v0;
	_ =	sdelay $0x1  }
0x99: {  	v4 =	vadd.s32 v1, v4;
	_ =	sdelay $0x4  }
0x9a: {  	[hbm4b:s3+s2] =	stream.indirect_vreg.scatter [tilespmem:s28], [sflag:$0x1], $0x80, v4, vm0, $0xb8;
	[tilespmem:$0x10080] =	vst v63  }
0x9b: {  	v3 =	vperm.xlane v3, v2  }
0x9c: {  	[hbm4b:s4+s2] =	stream.indirect_vreg.scatter [tilespmem:s29], [sflag:$0x1], $0x80, v4, vm0, $0xb8;
	[tilespmem:$0x10080] =	vst v63  }
0x9d: {  	v3 =	vadd.s32 v1, v3  }
0x9e: {  	[hbm4b:s5+s2] =	stream.indirect_vreg.scatter [tilespmem:s30], [sflag:$0x1], $0x80, v4, vm0, $0xb8;
	[tilespmem:$0x10080] =	vst v63  }
0x9f: {  	_ = 	snop  }
0xa0: {  	[hbm4b:s6+s2] =	stream.indirect_vreg.scatter [tilespmem:s31], [sflag:$0x1], $0x80, v4, vm0, $0xb8;
	[tilespmem:$0x10080] =	vst v63  }
0xa1: {  	s19 =	simm.s32 $0x6080  }
0xa2: {  	[hbm4b:s3+s2] =	stream.indirect_vreg.scatter [tilespmem:s19], [sflag:$0x1], $0x80, v3, vm0, $0xb8;
	[tilespmem:$0x10080] =	vst v63  }
0xa3: {  	_ = 	snop  }
0xa4: {  	[hbm4b:s4+s2] =	stream.indirect_vreg.scatter [tilespmem:s1], [sflag:$0x1], $0x80, v3, vm0, $0xb8;
	[tilespmem:$0x10080] =	vst v63  }
0xa5: {  	_ = 	snop  }
0xa6: {  	[hbm4b:s5+s2] =	stream.indirect_vreg.scatter [tilespmem:s10], [sflag:$0x1], $0x80, v3, vm0, $0xb8;
	[tilespmem:$0x10080] =	vst v63  }
0xa7: {  	_ = 	snop  }
0xa8: {  	[hbm4b:s6+s2] =	stream.indirect_vreg.scatter [tilespmem:s11], [sflag:$0x1], $0x80, v3, vm0, $0xb8;
	[tilespmem:$0x10080] =	vst v63  }
0xa9: {  	v3 =	vld [tilespmem:$0x20];
	_ =	sdelay $0x4  }
0xaa: {  	v62 =	vshll.u32 v3, $0x3  }
0xab: {  	v3 =	vand.u32 $0x7, v3;
	v4 =	vand.u32 $0xFFFFFFC0, v62  }
0xac: {  	v3 =	vor.u32 v3, v4  }
0xad: {  	v4 =	vperm.xlane v3, v0;
	_ =	sdelay $0x1  }
0xae: {  	v4 =	vadd.s32 v1, v4;
	_ =	sdelay $0x4  }
0xaf: {  	[hbm4b:s3+s2] =	stream.indirect_vreg.scatter [tilespmem:s12], [sflag:$0x1], $0x80, v4, vm0, $0xb8;
	[tilespmem:$0x10080] =	vst v63  }
0xb0: {  	v3 =	vperm.xlane v3, v2  }
0xb1: {  	[hbm4b:s4+s2] =	stream.indirect_vreg.scatter [tilespmem:s13], [sflag:$0x1], $0x80, v4, vm0, $0xb8;
	[tilespmem:$0x10080] =	vst v63  }
0xb2: {  	v3 =	vadd.s32 v1, v3  }
0xb3: {  	[hbm4b:s5+s2] =	stream.indirect_vreg.scatter [tilespmem:s14], [sflag:$0x1], $0x80, v4, vm0, $0xb8;
	[tilespmem:$0x10080] =	vst v63  }
0xb4: {  	_ = 	snop  }
0xb5: {  	[hbm4b:s6+s2] =	stream.indirect_vreg.scatter [tilespmem:s15], [sflag:$0x1], $0x80, v4, vm0, $0xb8;
	[tilespmem:$0x10080] =	vst v63  }
0xb6: {  	_ = 	snop  }
0xb7: {  	[hbm4b:s3+s2] =	stream.indirect_vreg.scatter [tilespmem:s16], [sflag:$0x1], $0x80, v3, vm0, $0xb8;
	[tilespmem:$0x10080] =	vst v63  }
0xb8: {  	_ = 	snop  }
0xb9: {  	[hbm4b:s4+s2] =	stream.indirect_vreg.scatter [tilespmem:s17], [sflag:$0x1], $0x80, v3, vm0, $0xb8;
	[tilespmem:$0x10080] =	vst v63  }
0xba: {  	_ = 	snop  }
0xbb: {  	[hbm4b:s5+s2] =	stream.indirect_vreg.scatter [tilespmem:s9], [sflag:$0x1], $0x80, v3, vm0, $0xb8;
	[tilespmem:$0x10080] =	vst v63  }
0xbc: {  	s19 =	simm.s32 $0xB880  }
0xbd: {  	[hbm4b:s6+s2] =	stream.indirect_vreg.scatter [tilespmem:s19], [sflag:$0x1], $0x80, v3, vm0, $0xb8;
	[tilespmem:$0x10080] =	vst v63  }
0xbe: {  	v3 =	vld [tilespmem:$0x30];
	_ =	sdelay $0x4  }
0xbf: {  	v63 =	vshll.u32 v3, $0x3  }
0xc0: {  	v3 =	vand.u32 $0x7, v3;
	v4 =	vand.u32 $0xFFFFFFC0, v63  }
0xc1: {  	v3 =	vor.u32 v3, v4  }
0xc2: {  	v4 =	vperm.xlane v3, v0;
	_ =	sdelay $0x1  }
0xc3: {  	v4 =	vadd.s32 v1, v4;
	_ =	sdelay $0x3  }
0xc4: {  	s1 =	simm.s32 $0xC080  }
0xc5: {  	[hbm4b:s3+s2] =	stream.indirect_vreg.scatter [tilespmem:s1], [sflag:$0x1], $0x80, v4, vm0, $0xb8;
	[tilespmem:$0x10080] =	vst v63  }
0xc6: {  	s19 =	simm.s32 $0xC880;
	v3 =	vperm.xlane v3, v2  }
0xc7: {  	[hbm4b:s4+s2] =	stream.indirect_vreg.scatter [tilespmem:s19], [sflag:$0x1], $0x80, v4, vm0, $0xb8;
	[tilespmem:$0x10080] =	vst v63  }
0xc8: {  	v3 =	vadd.s32 v1, v3;
	s1 =	simm.s32 $0xD080  }
0xc9: {  	[hbm4b:s5+s2] =	stream.indirect_vreg.scatter [tilespmem:s1], [sflag:$0x1], $0x80, v4, vm0, $0xb8;
	[tilespmem:$0x10080] =	vst v63  }
0xca: {  	s19 =	simm.s32 $0xD880  }
0xcb: {  	[hbm4b:s6+s2] =	stream.indirect_vreg.scatter [tilespmem:s19], [sflag:$0x1], $0x80, v4, vm0, $0xb8;
	[tilespmem:$0x10080] =	vst v63  }
0xcc: {  	s1 =	simm.s32 $0xE080  }
0xcd: {  	[hbm4b:s3+s2] =	stream.indirect_vreg.scatter [tilespmem:s1], [sflag:$0x1], $0x80, v3, vm0, $0xb8;
	[tilespmem:$0x10080] =	vst v63  }
0xce: {  	s19 =	simm.s32 $0xE880  }
0xcf: {  	[hbm4b:s4+s2] =	stream.indirect_vreg.scatter [tilespmem:s19], [sflag:$0x1], $0x80, v3, vm0, $0xb8;
	[tilespmem:$0x10080] =	vst v63  }
0xd0: {  	p0 =	sne.s32 s7, $0x1;
	s1 =	simm.s32 $0xF080  }
0xd1: {  	[hbm4b:s5+s2] =	stream.indirect_vreg.scatter [tilespmem:s1], [sflag:$0x1], $0x80, v3, vm0, $0xb8;
	[tilespmem:$0x10080] =	vst v63  }
.Ltmp0:
0xd2: {  	s19 =	simm.s32 $0xF880;
	(pc) =	sbr.rel @p0 .LBB2_1-.Ltmp0, $4  }
0xd3: {  	[hbm4b:s6+s2] =	stream.indirect_vreg.scatter [tilespmem:s19], [sflag:$0x1], $0x80, v3, vm0, $0xb8;
	[tilespmem:$0x10080] =	vst v63  }
0xd4: {  	_ =	swait.ge [sflag:s18], $0x10000  }
0xd5: {  	[sflag:s18] =	ssyncset.done $0x0  }
0xd6: {  	s7 =	sadd.s32 $0xFFFFFFFF, s7;
	[sflag:s18] =	ssyncadd.s32 $0xFFFF0000  }
0xd7: {  	_ =	sfence.sel $0x180000  }
0xd8: {  	[bflag:$0x0] =	sbarrier.arrive $0xFFFF  }
0xd9: {  	_ =	strace $0x90000047  }
0xda: {  	s0 =	stileid.u32;
	[bflag:$0x2] =	sbarrier.arrive $0xFFFF  }
0xdb: {  	p0 =	sne.s32 s0, $0x0;
	s0 =	rddreg [dreg:$0x3]  }
0xdc: {  	s0 =	sadd.s32 @!p0 $0x100000, s0  }
0xdd: {  	[sflag:s0] =	ssyncadd.tile.s32 @!p0 $0x1;
	_ =	shalt  }
.Lfunc_end2:
_tile_overlayer_lowered:
.L_overlay_start_2:
0xde: {  	(tag) =	ssettag $0x2  }
0xdf: {  	s0 =	rddreg [dreg:$0x0];
	s2 =	stileid.u32  }
0xe0: {  	s1 =	rddreg [dreg:$0x1];
	p0 =	sne.s32 s2, $0x0  }
0xe1: {  	s3 =	rddreg [dreg:$0x2];
	[bflag:$0x3] =	sbarrier.arrive $0xFFFF;
	s2 =	simm.s32 @!p0 $0x1C02  }
0xe2: {  	[timem:s3], [sflag:s2] =	dma.local @!p0 [hbm:s0], s1  }
0xe3: {  	s0 =	simm.s32 @!p0 $0x2  }
0xe4: {  	_ =	swait.ge @!p0 [sflag:s0], s1  }
0xe5: {  	s1 =	ssub.s32 @!p0 $0x0, s1;
	[sflag:s0] =	ssyncset.done @!p0 $0x0  }
0xe6: {  	[sflag:s0] =	ssyncadd.s32 @!p0 s1  }
0xe7: {  	[bflag:$0x3] =	sbarrier.arrive $0xFFFF  }
0xe8: {  	_ =	shalt  }

</sc_bundles>
